<compile_context>
chip_gen: v7x
topology: tpu7x:2x2x1
jax: 0.10.2.dev20260603
libtpu: 0.0.44.dev20260713+nightly
codegen_flags: <defaults>
</compile_context>

<pallas_src>
import functools
import jax
import jax.numpy as jnp
from jax import lax
from jax.experimental import pallas as pl
from jax.experimental.pallas import tpu as pltpu
from jax.experimental.pallas import tpu_sc as plsc

_E = 8
_K = 2
_R = 512
_T = 2048
_D = 768
_L = 128
_SPAD = _T * _K + _E * _R
_NT = _SPAD // _R
_NTC = 128

_NW = 32
_TPW = _T // _NW


def _router_meta_body(x_ref, wr_ref, pos_ref, ww0_ref, ww1_ref, te_ref):
    x = x_ref[...]
    logits = jnp.dot(x, wr_ref[...], preferred_element_type=jnp.float32)
    m1 = jnp.max(logits, axis=-1, keepdims=True)
    idx = lax.broadcasted_iota(jnp.int32, logits.shape, 1)
    big = jnp.int32(1 << 30)
    a1 = jnp.min(jnp.where(logits == m1, idx, big), axis=-1, keepdims=True)
    masked = jnp.where(idx == a1, -jnp.inf, logits)
    m2 = jnp.max(masked, axis=-1, keepdims=True)
    a2 = jnp.min(jnp.where(masked == m2, idx, big), axis=-1, keepdims=True)
    t_ = jnp.exp(m2 - m1)
    w1 = 1.0 / (1.0 + t_)
    w2 = 1.0 - w1

    arT = jnp.concatenate([a1, a2], axis=1).astype(jnp.float32).T
    a1r = arT[0:1]
    a2r = arT[1:2]
    eIota = lax.broadcasted_iota(jnp.int32, (_E, _T), 0).astype(jnp.float32)
    oh0T = jnp.where(eIota == a1r, 1.0, 0.0)
    oh1T = jnp.where(eIota == a2r, 1.0, 0.0)
    ohT = jnp.concatenate([oh0T, oh1T], axis=1)
    C = ohT
    sh = 1
    n = 2 * _T
    while sh < n:
        shifted = jnp.concatenate(
            [jnp.zeros((_E, sh), jnp.float32), C[:, : n - sh]], axis=1)
        C = C + shifted
        sh *= 2
    C0 = C[:, :_T]
    C1 = C[:, _T:]
    rank0r = jnp.sum(C0 * oh0T, axis=0, keepdims=True) - 1.0
    rank1r = jnp.sum(C1 * oh1T, axis=0, keepdims=True) - 1.0
    hist_col = C[:, n - 1 : n]
    cnt_pad_col = jnp.floor((hist_col + (_R - 1)) / _R) * _R

    I8 = lax.broadcasted_iota(jnp.int32, (_E, _E), 0)
    J8 = lax.broadcasted_iota(jnp.int32, (_E, _E), 1)
    cnt_row = jnp.sum(jnp.where(I8 == J8, cnt_pad_col, 0.0), axis=0, keepdims=True)
    off_excl_col = jnp.sum(jnp.where(J8 < I8, cnt_row, 0.0), axis=1, keepdims=True)
    off_incl_col = off_excl_col + cnt_pad_col

    pos0r = jnp.sum(oh0T * off_excl_col, axis=0, keepdims=True) + rank0r
    pos1r = jnp.sum(oh1T * off_excl_col, axis=0, keepdims=True) + rank1r
    pos_t = jnp.concatenate(
        [pos0r, pos1r, jnp.zeros((_E - _K, _T), jnp.float32)], axis=0)
    pos_ref[...] = pos_t.astype(jnp.int32)

    ww0_ref[...] = jnp.broadcast_to(w1, (_T, _L))
    ww1_ref[...] = jnp.broadcast_to(w2, (_T, _L))

    colJ = lax.broadcasted_iota(jnp.int32, (_E, _NTC), 1).astype(jnp.float32) * float(_R)
    cmp = jnp.where(colJ >= off_incl_col, 1.0, 0.0)
    te = jnp.sum(cmp, axis=0, keepdims=True)
    te = jnp.minimum(te, float(_E - 1))
    te_ref[...] = jnp.broadcast_to(te, (8, _NTC)).astype(jnp.int32)


def _router_meta(x, W_router):
    return pl.pallas_call(
        _router_meta_body,
        in_specs=[
            pl.BlockSpec((_T, _D), lambda: (0, 0)),
            pl.BlockSpec((_D, _E), lambda: (0, 0)),
        ],
        out_specs=[
            pl.BlockSpec((_E, _T), lambda: (0, 0)),
            pl.BlockSpec((_T, _L), lambda: (0, 0)),
            pl.BlockSpec((_T, _L), lambda: (0, 0)),
            pl.BlockSpec((8, _NTC), lambda: (0, 0)),
        ],
        out_shape=[
            jax.ShapeDtypeStruct((_E, _T), jnp.int32),
            jax.ShapeDtypeStruct((_T, _L), jnp.float32),
            jax.ShapeDtypeStruct((_T, _L), jnp.float32),
            jax.ShapeDtypeStruct((8, _NTC), jnp.int32),
        ],
    )(x, W_router)


def _dispatch_body(x_hbm, pos_hbm, ww0_hbm, ww1_hbm, xs_hbm, ws_hbm,
                   p0_v, p1_v, xr_v, w0r_v, w1r_v, sem):
    wid = lax.axis_index("s") * 2 + lax.axis_index("c")
    base = wid * _TPW
    i1 = pltpu.async_copy(pos_hbm.at[0, pl.ds(base, _TPW)], p0_v, sem)
    i2 = pltpu.async_copy(pos_hbm.at[1, pl.ds(base, _TPW)], p1_v, sem)
    i3 = pltpu.async_copy(x_hbm.at[pl.ds(base, _TPW)], xr_v, sem)
    i4 = pltpu.async_copy(ww0_hbm.at[pl.ds(base, _TPW)], w0r_v, sem)
    i5 = pltpu.async_copy(ww1_hbm.at[pl.ds(base, _TPW)], w1r_v, sem)
    i1.wait()
    i2.wait()
    i3.wait()
    i4.wait()
    i5.wait()
    c1 = pltpu.async_copy(xr_v, xs_hbm.at[p0_v], sem)
    c2 = pltpu.async_copy(xr_v, xs_hbm.at[p1_v], sem)
    c3 = pltpu.async_copy(w0r_v, ws_hbm.at[p0_v], sem)
    c4 = pltpu.async_copy(w1r_v, ws_hbm.at[p1_v], sem)
    c1.wait()
    c2.wait()
    c3.wait()
    c4.wait()


def _sc_dispatch(x, pos_t, ww0, ww1):
    mesh = plsc.VectorSubcoreMesh(core_axis_name="c", subcore_axis_name="s")
    f = functools.partial(
        pl.kernel,
        out_type=[
            jax.ShapeDtypeStruct((_SPAD, _D), jnp.float32),
            jax.ShapeDtypeStruct((_SPAD, _L), jnp.float32),
        ],
        mesh=mesh,
        scratch_types=[
            pltpu.VMEM((_TPW,), jnp.int32),
            pltpu.VMEM((_TPW,), jnp.int32),
            pltpu.VMEM((_TPW, _D), jnp.float32),
            pltpu.VMEM((_TPW, _L), jnp.float32),
            pltpu.VMEM((_TPW, _L), jnp.float32),
            pltpu.SemaphoreType.DMA,
        ],
    )(_dispatch_body)
    return f(x, pos_t, ww0, ww1)


def _gmm_body(te_ref, xs_ref, ws_ref, wg_ref, wu_ref, wd_ref, y_ref):
    xt = xs_ref[...].astype(jnp.bfloat16)
    wg = wg_ref[0].astype(jnp.bfloat16)
    wu = wu_ref[0].astype(jnp.bfloat16)
    wd = wd_ref[0].astype(jnp.bfloat16)
    g = jnp.dot(xt, wg, preferred_element_type=jnp.float32)
    u = jnp.dot(xt, wu, preferred_element_type=jnp.float32)
    h = (g * lax.logistic(g) * u).astype(jnp.bfloat16)
    y = jnp.dot(h, wd, preferred_element_type=jnp.float32)
    y_ref[...] = y * ws_ref[:, 0:1]


def _grouped_mm(te, xs, ws, Wg, Wu, Wd):
    F = Wg.shape[2]
    grid_spec = pltpu.PrefetchScalarGridSpec(
        num_scalar_prefetch=1,
        grid=(_NT,),
        in_specs=[
            pl.BlockSpec((_R, _D), lambda i, te_ref: (i, 0)),
            pl.BlockSpec((_R, _L), lambda i, te_ref: (i, 0)),
            pl.BlockSpec((1, _D, F), lambda i, te_ref: (te_ref[i], 0, 0)),
            pl.BlockSpec((1, _D, F), lambda i, te_ref: (te_ref[i], 0, 0)),
            pl.BlockSpec((1, F, _D), lambda i, te_ref: (te_ref[i], 0, 0)),
        ],
        out_specs=pl.BlockSpec((_R, _D), lambda i, te_ref: (i, 0)),
    )
    return pl.pallas_call(
        _gmm_body,
        grid_spec=grid_spec,
        out_shape=jax.ShapeDtypeStruct((_SPAD, _D), jnp.float32),
        compiler_params=pltpu.CompilerParams(
            dimension_semantics=("arbitrary",),
        ),
    )(te, xs, ws, Wg, Wu, Wd)


def _combine_body(ys_hbm, pos_hbm, out_hbm, p0_v, p1_v, a_v, b_v, sem):
    wid = lax.axis_index("s") * 2 + lax.axis_index("c")
    base = wid * _TPW
    pltpu.sync_copy(pos_hbm.at[0, pl.ds(base, _TPW)], p0_v)
    pltpu.sync_copy(pos_hbm.at[1, pl.ds(base, _TPW)], p1_v)
    ca = pltpu.async_copy(ys_hbm.at[p0_v], a_v, sem)
    cb = pltpu.async_copy(ys_hbm.at[p1_v], b_v, sem)
    ca.wait()
    cb.wait()

    def add_body(r, _):
        for c in range(_D // 16):
            sl = pl.ds(c * 16, 16)
            a_v[r, sl] += b_v[r, sl]
        return 0

    lax.fori_loop(0, _TPW, add_body, 0)
    pltpu.sync_copy(a_v, out_hbm.at[pl.ds(base, _TPW)])


def _sc_combine(ys, pos_t):
    mesh = plsc.VectorSubcoreMesh(core_axis_name="c", subcore_axis_name="s")
    f = functools.partial(
        pl.kernel,
        out_type=[jax.ShapeDtypeStruct((_T, _D), jnp.float32)],
        mesh=mesh,
        scratch_types=[
            pltpu.VMEM((_TPW,), jnp.int32),
            pltpu.VMEM((_TPW,), jnp.int32),
            pltpu.VMEM((_TPW, _D), jnp.float32),
            pltpu.VMEM((_TPW, _D), jnp.float32),
            pltpu.SemaphoreType.DMA,
        ],
    )(_combine_body)
    return f(ys, pos_t)


def kernel(x, W_router, Wg, Wu, Wd):
    pos_t, ww0, ww1, te_canvas = _router_meta(x, W_router)
    te = te_canvas[0, :_NT]
    xs, ws = _sc_dispatch(x, pos_t, ww0, ww1)
    ys = _grouped_mm(te, xs, ws, Wg, Wu, Wd)
    (out,) = _sc_combine(ys, pos_t)
    return out

# --- scband reference (transcript-rebuilt; emitter-appended) ---
"""Pipeline reference for scband-expert-parallel-mo-e-32392643347047 (READ-ONLY COPY).

The authoritative reference and input builder live on the scoring server;
editing this copy changes nothing except your own understanding.
"""

import jax, jax.numpy as jnp
import numpy as np

E = 8
K = 2
D = 768
F = 768
T = 2048


def setup_inputs(seed: int = 0) -> dict:
    key = jax.random.key(seed)
    ks = jax.random.split(key, 5)
    x = jax.random.normal(ks[0], (T, D), dtype=jnp.float32)
    W_router = jax.random.normal(ks[1], (D, E), dtype=jnp.float32) * (1.0 / np.sqrt(D))
    Wg = jax.random.normal(ks[2], (E, D, F), dtype=jnp.float32) * (1.0 / np.sqrt(D))
    Wu = jax.random.normal(ks[3], (E, D, F), dtype=jnp.float32) * (1.0 / np.sqrt(D))
    Wd = jax.random.normal(ks[4], (E, F, D), dtype=jnp.float32) * (1.0 / np.sqrt(F))
    return {"x": x, "W_router": W_router, "Wg": Wg, "Wu": Wu, "Wd": Wd}


def reference(x, W_router, Wg, Wu, Wd):
    # Router: logits -> topk -> softmax over the topk logits (matches torch code)
    logits = x @ W_router  # [T, E]
    topk_w, topk_ids = jax.lax.top_k(logits, K)  # [T, K]
    topk_w = jax.nn.softmax(topk_w, axis=-1)  # [T, K]
    # Single-process expert parallelism (ep_size=1): all-gather / reduce-scatter are identity.
    # Dense masked expert loop: mathematically identical to per-token dispatch in the torch module,
    # since tokens not routed to expert e get weight 0.
    out = jnp.zeros_like(x)
    for e in range(E):
        g = x @ Wg[e]  # gate_proj
        u = x @ Wu[e]  # up_proj
        ye = (jax.nn.silu(g) * u) @ Wd[e]  # down_proj, [T, D]
        w_e = jnp.sum(jnp.where(topk_ids == e, topk_w, 0.0), axis=-1)  # [T]
        out = out + w_e[:, None] * ye
    return out

if __name__ == "__main__":
    import jax
    _d = setup_inputs()
    print(jax.jit(kernel)(*tuple(_d.values())))

</pallas_src>

<mosaic_0001>
#map = affine_map<(d0, d1) -> (0, 0)>
module attributes {stable_mosaic.version = 14 : i64} {
  func.func @_combine_body(%arg0: i32, %arg1: i32, %arg2: memref<8192x768xf32, #tpu.memory_space<hbm>>, %arg3: memref<8x2048xi32, #tpu.memory_space<hbm>>, %arg4: memref<2048x768xf32, #tpu.memory_space<hbm>>, %arg5: memref<64xi32, #tpu.memory_space<vmem>>, %arg6: memref<64xi32, #tpu.memory_space<vmem>>, %arg7: memref<64x768xf32, #tpu.memory_space<vmem>>, %arg8: memref<64x768xf32, #tpu.memory_space<vmem>>, %arg9: memref<!tpu.dma_semaphore, #tpu.memory_space<semaphore_mem>>) attributes {dimension_semantics = [#tpu.dimension_semantics<core_parallel>, #tpu.dimension_semantics<subcore_parallel>], iteration_bounds = array<i64: 2, 16>, scalar_prefetch = 0 : i64, scratch_operands = 5 : i64, tpu.core_type = #tpu.core_type<sc_vector_subcore>, window_params = [{transform_indices = #map}, {transform_indices = #map}, {transform_indices = #map}]} {
    %mul3A = arith.constant 2 : i32
    %mul3A_0 = arith.muli %arg1, %mul3A : i32
    %add3A = arith.addi %mul3A_0, %arg0 : i32
    %mul3A_1 = arith.constant 64 : i32
    %mul3A_2 = arith.muli %add3A, %mul3A_1 : i32
    %run_scoped3A = arith.constant 0 : i32
    "tpu.region"() ({
      %run_scoped3A_20 = tpu.sem_alloc : memref<!tpu.dma_semaphore, #tpu.memory_space<semaphore_mem>>
      %dma_start3A_21 = tpu.memref_slice %arg3[%run_scoped3A, %mul3A_2] : memref<8x2048xi32, #tpu.memory_space<hbm>> -> memref<1x64xi32, #tpu.memory_space<hbm>>
      %dma_start3A_22 = tpu.memref_squeeze %dma_start3A_21 : memref<1x64xi32, #tpu.memory_space<hbm>> -> memref<64xi32, #tpu.memory_space<hbm>>
      %dma_start3A_23 = tpu.memref_slice %arg3[%run_scoped3A, %mul3A_2] : memref<8x2048xi32, #tpu.memory_space<hbm>> -> memref<1x64xi32, #tpu.memory_space<hbm>>
      %dma_start3A_24 = tpu.memref_squeeze %dma_start3A_23 : memref<1x64xi32, #tpu.memory_space<hbm>> -> memref<64xi32, #tpu.memory_space<hbm>>
      tpu.enqueue_dma source(%dma_start3A_24 : memref<64xi32, #tpu.memory_space<hbm>>) target(%arg5 : memref<64xi32, #tpu.memory_space<vmem>>) target_semaphore(%run_scoped3A_20 : memref<!tpu.dma_semaphore, #tpu.memory_space<semaphore_mem>>)
      %dma_wait3A_25 = tpu.memref_slice %arg3[%run_scoped3A, %mul3A_2] : memref<8x2048xi32, #tpu.memory_space<hbm>> -> memref<1x64xi32, #tpu.memory_space<hbm>>
      %dma_wait3A_26 = tpu.memref_squeeze %dma_wait3A_25 : memref<1x64xi32, #tpu.memory_space<hbm>> -> memref<64xi32, #tpu.memory_space<hbm>>
      %dma_wait3A_27 = tpu.memref_slice %arg3[%run_scoped3A, %mul3A_2] : memref<8x2048xi32, #tpu.memory_space<hbm>> -> memref<1x64xi32, #tpu.memory_space<hbm>>
      %dma_wait3A_28 = tpu.memref_squeeze %dma_wait3A_27 : memref<1x64xi32, #tpu.memory_space<hbm>> -> memref<64xi32, #tpu.memory_space<hbm>>
      tpu.wait_dma2 semaphore(%run_scoped3A_20 : memref<!tpu.dma_semaphore, #tpu.memory_space<semaphore_mem>>) src(%dma_wait3A_28 : memref<64xi32, #tpu.memory_space<hbm>>) dst(%arg5 : memref<64xi32, #tpu.memory_space<vmem>>)
      tpu.yield
    }) : () -> ()
    %run_scoped3A_3 = arith.constant 1 : i32
    "tpu.region"() ({
      %run_scoped3A_20 = tpu.sem_alloc : memref<!tpu.dma_semaphore, #tpu.memory_space<semaphore_mem>>
      %dma_start3A_21 = tpu.memref_slice %arg3[%run_scoped3A_3, %mul3A_2] : memref<8x2048xi32, #tpu.memory_space<hbm>> -> memref<1x64xi32, #tpu.memory_space<hbm>>
      %dma_start3A_22 = tpu.memref_squeeze %dma_start3A_21 : memref<1x64xi32, #tpu.memory_space<hbm>> -> memref<64xi32, #tpu.memory_space<hbm>>
      %dma_start3A_23 = tpu.memref_slice %arg3[%run_scoped3A_3, %mul3A_2] : memref<8x2048xi32, #tpu.memory_space<hbm>> -> memref<1x64xi32, #tpu.memory_space<hbm>>
      %dma_start3A_24 = tpu.memref_squeeze %dma_start3A_23 : memref<1x64xi32, #tpu.memory_space<hbm>> -> memref<64xi32, #tpu.memory_space<hbm>>
      tpu.enqueue_dma source(%dma_start3A_24 : memref<64xi32, #tpu.memory_space<hbm>>) target(%arg6 : memref<64xi32, #tpu.memory_space<vmem>>) target_semaphore(%run_scoped3A_20 : memref<!tpu.dma_semaphore, #tpu.memory_space<semaphore_mem>>)
      %dma_wait3A_25 = tpu.memref_slice %arg3[%run_scoped3A_3, %mul3A_2] : memref<8x2048xi32, #tpu.memory_space<hbm>> -> memref<1x64xi32, #tpu.memory_space<hbm>>
      %dma_wait3A_26 = tpu.memref_squeeze %dma_wait3A_25 : memref<1x64xi32, #tpu.memory_space<hbm>> -> memref<64xi32, #tpu.memory_space<hbm>>
      %dma_wait3A_27 = tpu.memref_slice %arg3[%run_scoped3A_3, %mul3A_2] : memref<8x2048xi32, #tpu.memory_space<hbm>> -> memref<1x64xi32, #tpu.memory_space<hbm>>
      %dma_wait3A_28 = tpu.memref_squeeze %dma_wait3A_27 : memref<1x64xi32, #tpu.memory_space<hbm>> -> memref<64xi32, #tpu.memory_space<hbm>>
      tpu.wait_dma2 semaphore(%run_scoped3A_20 : memref<!tpu.dma_semaphore, #tpu.memory_space<semaphore_mem>>) src(%dma_wait3A_28 : memref<64xi32, #tpu.memory_space<hbm>>) dst(%arg6 : memref<64xi32, #tpu.memory_space<vmem>>)
      tpu.yield
    }) : () -> ()
    %dma_start3A = arith.constant 0 : i32
    %dma_start3A_4 = arith.constant 0 : i32
    %dma_start3A_5 = tpu.memref_slice %arg2[%dma_start3A, %dma_start3A_4] : memref<8192x768xf32, #tpu.memory_space<hbm>> -> memref<8192x768xf32, #tpu.memory_space<hbm>>
    tpu.enqueue_indirect_dma source(%dma_start3A_5 : memref<8192x768xf32, #tpu.memory_space<hbm>>) target(%arg7 : memref<64x768xf32, #tpu.memory_space<vmem>>) offsets(%arg5 : memref<64xi32, #tpu.memory_space<vmem>>) semaphore(%arg9 : memref<!tpu.dma_semaphore, #tpu.memory_space<semaphore_mem>>)
    %dma_start3A_6 = arith.constant 0 : i32
    %dma_start3A_7 = arith.constant 0 : i32
    %dma_start3A_8 = tpu.memref_slice %arg2[%dma_start3A_6, %dma_start3A_7] : memref<8192x768xf32, #tpu.memory_space<hbm>> -> memref<8192x768xf32, #tpu.memory_space<hbm>>
    tpu.enqueue_indirect_dma source(%dma_start3A_8 : memref<8192x768xf32, #tpu.memory_space<hbm>>) target(%arg8 : memref<64x768xf32, #tpu.memory_space<vmem>>) offsets(%arg6 : memref<64xi32, #tpu.memory_space<vmem>>) semaphore(%arg9 : memref<!tpu.dma_semaphore, #tpu.memory_space<semaphore_mem>>)
    %dma_wait3A = arith.constant 0 : i32
    %dma_wait3A_9 = arith.constant 0 : i32
    %dma_wait3A_10 = tpu.memref_slice %arg2[%dma_wait3A, %dma_wait3A_9] : memref<8192x768xf32, #tpu.memory_space<hbm>> -> memref<8192x768xf32, #tpu.memory_space<hbm>>
    tpu.wait_indirect_dma semaphore(%arg9 : memref<!tpu.dma_semaphore, #tpu.memory_space<semaphore_mem>>) src(%dma_wait3A_10 : memref<8192x768xf32, #tpu.memory_space<hbm>>) dst(%arg7 : memref<64x768xf32, #tpu.memory_space<vmem>>)
    %dma_wait3A_11 = arith.constant 0 : i32
    %dma_wait3A_12 = arith.constant 0 : i32
    %dma_wait3A_13 = tpu.memref_slice %arg2[%dma_wait3A_11, %dma_wait3A_12] : memref<8192x768xf32, #tpu.memory_space<hbm>> -> memref<8192x768xf32, #tpu.memory_space<hbm>>
    tpu.wait_indirect_dma semaphore(%arg9 : memref<!tpu.dma_semaphore, #tpu.memory_space<semaphore_mem>>) src(%dma_wait3A_13 : memref<8192x768xf32, #tpu.memory_space<hbm>>) dst(%arg8 : memref<64x768xf32, #tpu.memory_space<vmem>>)
    %scan3A = arith.constant 0 : i32
    %scan3A_14 = arith.constant 0 : i32
    %scan3A_15 = arith.constant 64 : i32
    %scan3A_16 = arith.addi %scan3A_14, %scan3A_15 : i32
    %scan3A_17 = arith.constant 1 : i32
    %scan3A_18 = scf.for %scan3A_20 = %scan3A_14 to %scan3A_16 step %scan3A_17 iter_args(%scan3A_21 = %scan3A) -> (i32)  : i32 {
      %get3A = arith.index_cast %scan3A_20 : i32 to index
      %get3A_22 = arith.constant 0 : index
      %get3A_23 = tpu.vector_load %arg7[%get3A, %get3A_22] {strides = array<i32>} : memref<64x768xf32, #tpu.memory_space<vmem>>, vector<1x16xf32>,
      %get3A_24 = vector.shape_cast %get3A_23 : vector<1x16xf32> to vector<16xf32>
      %get3A_25 = arith.index_cast %scan3A_20 : i32 to index
      %get3A_26 = arith.constant 0 : index
      %get3A_27 = tpu.vector_load %arg8[%get3A_25, %get3A_26] {strides = array<i32>} : memref<64x768xf32, #tpu.memory_space<vmem>>, vector<1x16xf32>,
      %get3A_28 = vector.shape_cast %get3A_27 : vector<1x16xf32> to vector<16xf32>
      %add3A_29 = arith.addf %get3A_24, %get3A_28 : vector<16xf32>
      %swap3A = arith.index_cast %scan3A_20 : i32 to index
      %swap3A_30 = arith.constant 0 : index
      %swap3A_31 = tpu.vector_load %arg7[%swap3A, %swap3A_30] {strides = array<i32>} : memref<64x768xf32, #tpu.memory_space<vmem>>, vector<1x16xf32>,
      %swap3A_32 = vector.shape_cast %swap3A_31 : vector<1x16xf32> to vector<16xf32>
      %swap3A_33 = vector.shape_cast %add3A_29 : vector<16xf32> to vector<1x16xf32>
      tpu.vector_store %arg7[%swap3A, %swap3A_30], %swap3A_33 {strides = array<i32>} : memref<64x768xf32, #tpu.memory_space<vmem>>, vector<1x16xf32>,
      %get3A_34 = arith.index_cast %scan3A_20 : i32 to index
      %get3A_35 = arith.constant 16 : index
      %get3A_36 = tpu.vector_load %arg7[%get3A_34, %get3A_35] {strides = array<i32>} : memref<64x768xf32, #tpu.memory_space<vmem>>, vector<1x16xf32>,
      %get3A_37 = vector.shape_cast %get3A_36 : vector<1x16xf32> to vector<16xf32>
      %get3A_38 = arith.index_cast %scan3A_20 : i32 to index
      %get3A_39 = arith.constant 16 : index
      %get3A_40 = tpu.vector_load %arg8[%get3A_38, %get3A_39] {strides = array<i32>} : memref<64x768xf32, #tpu.memory_space<vmem>>, vector<1x16xf32>,
      %get3A_41 = vector.shape_cast %get3A_40 : vector<1x16xf32> to vector<16xf32>
      %add3A_42 = arith.addf %get3A_37, %get3A_41 : vector<16xf32>
      %swap3A_43 = arith.index_cast %scan3A_20 : i32 to index
      %swap3A_44 = arith.constant 16 : index
      %swap3A_45 = tpu.vector_load %arg7[%swap3A_43, %swap3A_44] {strides = array<i32>} : memref<64x768xf32, #tpu.memory_space<vmem>>, vector<1x16xf32>,
      %swap3A_46 = vector.shape_cast %swap3A_45 : vector<1x16xf32> to vector<16xf32>
      %swap3A_47 = vector.shape_cast %add3A_42 : vector<16xf32> to vector<1x16xf32>
      tpu.vector_store %arg7[%swap3A_43, %swap3A_44], %swap3A_47 {strides = array<i32>} : memref<64x768xf32, #tpu.memory_space<vmem>>, vector<1x16xf32>,
      %get3A_48 = arith.index_cast %scan3A_20 : i32 to index
      %get3A_49 = arith.constant 32 : index
      %get3A_50 = tpu.vector_load %arg7[%get3A_48, %get3A_49] {strides = array<i32>} : memref<64x768xf32, #tpu.memory_space<vmem>>, vector<1x16xf32>,
      %get3A_51 = vector.shape_cast %get3A_50 : vector<1x16xf32> to vector<16xf32>
      %get3A_52 = arith.index_cast %scan3A_20 : i32 to index
      %get3A_53 = arith.constant 32 : index
      %get3A_54 = tpu.vector_load %arg8[%get3A_52, %get3A_53] {strides = array<i32>} : memref<64x768xf32, #tpu.memory_space<vmem>>, vector<1x16xf32>,
      %get3A_55 = vector.shape_cast %get3A_54 : vector<1x16xf32> to vector<16xf32>
      %add3A_56 = arith.addf %get3A_51, %get3A_55 : vector<16xf32>
      %swap3A_57 = arith.index_cast %scan3A_20 : i32 to index
      %swap3A_58 = arith.constant 32 : index
      %swap3A_59 = tpu.vector_load %arg7[%swap3A_57, %swap3A_58] {strides = array<i32>} : memref<64x768xf32, #tpu.memory_space<vmem>>, vector<1x16xf32>,
      %swap3A_60 = vector.shape_cast %swap3A_59 : vector<1x16xf32> to vector<16xf32>
      %swap3A_61 = vector.shape_cast %add3A_56 : vector<16xf32> to vector<1x16xf32>
      tpu.vector_store %arg7[%swap3A_57, %swap3A_58], %swap3A_61 {strides = array<i32>} : memref<64x768xf32, #tpu.memory_space<vmem>>, vector<1x16xf32>,
      %get3A_62 = arith.index_cast %scan3A_20 : i32 to index
      %get3A_63 = arith.constant 48 : index
      %get3A_64 = tpu.vector_load %arg7[%get3A_62, %get3A_63] {strides = array<i32>} : memref<64x768xf32, #tpu.memory_space<vmem>>, vector<1x16xf32>,
      %get3A_65 = vector.shape_cast %get3A_64 : vector<1x16xf32> to vector<16xf32>
      %get3A_66 = arith.index_cast %scan3A_20 : i32 to index
      %get3A_67 = arith.constant 48 : index
      %get3A_68 = tpu.vector_load %arg8[%get3A_66, %get3A_67] {strides = array<i32>} : memref<64x768xf32, #tpu.memory_space<vmem>>, vector<1x16xf32>,
      %get3A_69 = vector.shape_cast %get3A_68 : vector<1x16xf32> to vector<16xf32>
      %add3A_70 = arith.addf %get3A_65, %get3A_69 : vector<16xf32>
      %swap3A_71 = arith.index_cast %scan3A_20 : i32 to index
      %swap3A_72 = arith.constant 48 : index
      %swap3A_73 = tpu.vector_load %arg7[%swap3A_71, %swap3A_72] {strides = array<i32>} : memref<64x768xf32, #tpu.memory_space<vmem>>, vector<1x16xf32>,
      %swap3A_74 = vector.shape_cast %swap3A_73 : vector<1x16xf32> to vector<16xf32>
      %swap3A_75 = vector.shape_cast %add3A_70 : vector<16xf32> to vector<1x16xf32>
      tpu.vector_store %arg7[%swap3A_71, %swap3A_72], %swap3A_75 {strides = array<i32>} : memref<64x768xf32, #tpu.memory_space<vmem>>, vector<1x16xf32>,
      %get3A_76 = arith.index_cast %scan3A_20 : i32 to index
      %get3A_77 = arith.constant 64 : index
      %get3A_78 = tpu.vector_load %arg7[%get3A_76, %get3A_77] {strides = array<i32>} : memref<64x768xf32, #tpu.memory_space<vmem>>, vector<1x16xf32>,
      %get3A_79 = vector.shape_cast %get3A_78 : vector<1x16xf32> to vector<16xf32>
      %get3A_80 = arith.index_cast %scan3A_20 : i32 to index
      %get3A_81 = arith.constant 64 : index
      %get3A_82 = tpu.vector_load %arg8[%get3A_80, %get3A_81] {strides = array<i32>} : memref<64x768xf32, #tpu.memory_space<vmem>>, vector<1x16xf32>,
      %get3A_83 = vector.shape_cast %get3A_82 : vector<1x16xf32> to vector<16xf32>
      %add3A_84 = arith.addf %get3A_79, %get3A_83 : vector<16xf32>
      %swap3A_85 = arith.index_cast %scan3A_20 : i32 to index
      %swap3A_86 = arith.constant 64 : index
      %swap3A_87 = tpu.vector_load %arg7[%swap3A_85, %swap3A_86] {strides = array<i32>} : memref<64x768xf32, #tpu.memory_space<vmem>>, vector<1x16xf32>,
      %swap3A_88 = vector.shape_cast %swap3A_87 : vector<1x16xf32> to vector<16xf32>
      %swap3A_89 = vector.shape_cast %add3A_84 : vector<16xf32> to vector<1x16xf32>
      tpu.vector_store %arg7[%swap3A_85, %swap3A_86], %swap3A_89 {strides = array<i32>} : memref<64x768xf32, #tpu.memory_space<vmem>>, vector<1x16xf32>,
      %get3A_90 = arith.index_cast %scan3A_20 : i32 to index
      %get3A_91 = arith.constant 80 : index
      %get3A_92 = tpu.vector_load %arg7[%get3A_90, %get3A_91] {strides = array<i32>} : memref<64x768xf32, #tpu.memory_space<vmem>>, vector<1x16xf32>,
      %get3A_93 = vector.shape_cast %get3A_92 : vector<1x16xf32> to vector<16xf32>
      %get3A_94 = arith.index_cast %scan3A_20 : i32 to index
      %get3A_95 = arith.constant 80 : index
      %get3A_96 = tpu.vector_load %arg8[%get3A_94, %get3A_95] {strides = array<i32>} : memref<64x768xf32, #tpu.memory_space<vmem>>, vector<1x16xf32>,
      %get3A_97 = vector.shape_cast %get3A_96 : vector<1x16xf32> to vector<16xf32>
      %add3A_98 = arith.addf %get3A_93, %get3A_97 : vector<16xf32>
      %swap3A_99 = arith.index_cast %scan3A_20 : i32 to index
      %swap3A_100 = arith.constant 80 : index
      %swap3A_101 = tpu.vector_load %arg7[%swap3A_99, %swap3A_100] {strides = array<i32>} : memref<64x768xf32, #tpu.memory_space<vmem>>, vector<1x16xf32>,
      %swap3A_102 = vector.shape_cast %swap3A_101 : vector<1x16xf32> to vector<16xf32>
      %swap3A_103 = vector.shape_cast %add3A_98 : vector<16xf32> to vector<1x16xf32>
      tpu.vector_store %arg7[%swap3A_99, %swap3A_100], %swap3A_103 {strides = array<i32>} : memref<64x768xf32, #tpu.memory_space<vmem>>, vector<1x16xf32>,
      %get3A_104 = arith.index_cast %scan3A_20 : i32 to index
      %get3A_105 = arith.constant 96 : index
      %get3A_106 = tpu.vector_load %arg7[%get3A_104, %get3A_105] {strides = array<i32>} : memref<64x768xf32, #tpu.memory_space<vmem>>, vector<1x16xf32>,
      %get3A_107 = vector.shape_cast %get3A_106 : vector<1x16xf32> to vector<16xf32>
      %get3A_108 = arith.index_cast %scan3A_20 : i32 to index
      %get3A_109 = arith.constant 96 : index
      %get3A_110 = tpu.vector_load %arg8[%get3A_108, %get3A_109] {strides = array<i32>} : memref<64x768xf32, #tpu.memory_space<vmem>>, vector<1x16xf32>,
      %get3A_111 = vector.shape_cast %get3A_110 : vector<1x16xf32> to vector<16xf32>
      %add3A_112 = arith.addf %get3A_107, %get3A_111 : vector<16xf32>
      %swap3A_113 = arith.index_cast %scan3A_20 : i32 to index
      %swap3A_114 = arith.constant 96 : index
      %swap3A_115 = tpu.vector_load %arg7[%swap3A_113, %swap3A_114] {strides = array<i32>} : memref<64x768xf32, #tpu.memory_space<vmem>>, vector<1x16xf32>,
      %swap3A_116 = vector.shape_cast %swap3A_115 : vector<1x16xf32> to vector<16xf32>
      %swap3A_117 = vector.shape_cast %add3A_112 : vector<16xf32> to vector<1x16xf32>
      tpu.vector_store %arg7[%swap3A_113, %swap3A_114], %swap3A_117 {strides = array<i32>} : memref<64x768xf32, #tpu.memory_space<vmem>>, vector<1x16xf32>,
      %get3A_118 = arith.index_cast %scan3A_20 : i32 to index
      %get3A_119 = arith.constant 112 : index
      %get3A_120 = tpu.vector_load %arg7[%get3A_118, %get3A_119] {strides = array<i32>} : memref<64x768xf32, #tpu.memory_space<vmem>>, vector<1x16xf32>,
      %get3A_121 = vector.shape_cast %get3A_120 : vector<1x16xf32> to vector<16xf32>
      %get3A_122 = arith.index_cast %scan3A_20 : i32 to index
      %get3A_123 = arith.constant 112 : index
      %get3A_124 = tpu.vector_load %arg8[%get3A_122, %get3A_123] {strides = array<i32>} : memref<64x768xf32, #tpu.memory_space<vmem>>, vector<1x16xf32>,
      %get3A_125 = vector.shape_cast %get3A_124 : vector<1x16xf32> to vector<16xf32>
      %add3A_126 = arith.addf %get3A_121, %get3A_125 : vector<16xf32>
      %swap3A_127 = arith.index_cast %scan3A_20 : i32 to index
      %swap3A_128 = arith.constant 112 : index
      %swap3A_129 = tpu.vector_load %arg7[%swap3A_127, %swap3A_128] {strides = array<i32>} : memref<64x768xf32, #tpu.memory_space<vmem>>, vector<1x16xf32>,
      %swap3A_130 = vector.shape_cast %swap3A_129 : vector<1x16xf32> to vector<16xf32>
      %swap3A_131 = vector.shape_cast %add3A_126 : vector<16xf32> to vector<1x16xf32>
      tpu.vector_store %arg7[%swap3A_127, %swap3A_128], %swap3A_131 {strides = array<i32>} : memref<64x768xf32, #tpu.memory_space<vmem>>, vector<1x16xf32>,
      %get3A_132 = arith.index_cast %scan3A_20 : i32 to index
      %get3A_133 = arith.constant 128 : index
      %get3A_134 = tpu.vector_load %arg7[%get3A_132, %get3A_133] {strides = array<i32>} : memref<64x768xf32, #tpu.memory_space<vmem>>, vector<1x16xf32>,
      %get3A_135 = vector.shape_cast %get3A_134 : vector<1x16xf32> to vector<16xf32>
      %get3A_136 = arith.index_cast %scan3A_20 : i32 to index
      %get3A_137 = arith.constant 128 : index
      %get3A_138 = tpu.vector_load %arg8[%get3A_136, %get3A_137] {strides = array<i32>} : memref<64x768xf32, #tpu.memory_space<vmem>>, vector<1x16xf32>,
      %get3A_139 = vector.shape_cast %get3A_138 : vector<1x16xf32> to vector<16xf32>
      %add3A_140 = arith.addf %get3A_135, %get3A_139 : vector<16xf32>
      %swap3A_141 = arith.index_cast %scan3A_20 : i32 to index
      %swap3A_142 = arith.constant 128 : index
      %swap3A_143 = tpu.vector_load %arg7[%swap3A_141, %swap3A_142] {strides = array<i32>} : memref<64x768xf32, #tpu.memory_space<vmem>>, vector<1x16xf32>,
      %swap3A_144 = vector.shape_cast %swap3A_143 : vector<1x16xf32> to vector<16xf32>
      %swap3A_145 = vector.shape_cast %add3A_140 : vector<16xf32> to vector<1x16xf32>
      tpu.vector_store %arg7[%swap3A_141, %swap3A_142], %swap3A_145 {strides = array<i32>} : memref<64x768xf32, #tpu.memory_space<vmem>>, vector<1x16xf32>,
      %get3A_146 = arith.index_cast %scan3A_20 : i32 to index
      %get3A_147 = arith.constant 144 : index
      %get3A_148 = tpu.vector_load %arg7[%get3A_146, %get3A_147] {strides = array<i32>} : memref<64x768xf32, #tpu.memory_space<vmem>>, vector<1x16xf32>,
      %get3A_149 = vector.shape_cast %get3A_148 : vector<1x16xf32> to vector<16xf32>
      %get3A_150 = arith.index_cast %scan3A_20 : i32 to index
      %get3A_151 = arith.constant 144 : index
      %get3A_152 = tpu.vector_load %arg8[%get3A_150, %get3A_151] {strides = array<i32>} : memref<64x768xf32, #tpu.memory_space<vmem>>, vector<1x16xf32>,
      %get3A_153 = vector.shape_cast %get3A_152 : vector<1x16xf32> to vector<16xf32>
      %add3A_154 = arith.addf %get3A_149, %get3A_153 : vector<16xf32>
      %swap3A_155 = arith.index_cast %scan3A_20 : i32 to index
      %swap3A_156 = arith.constant 144 : index
      %swap3A_157 = tpu.vector_load %arg7[%swap3A_155, %swap3A_156] {strides = array<i32>} : memref<64x768xf32, #tpu.memory_space<vmem>>, vector<1x16xf32>,
      %swap3A_158 = vector.shape_cast %swap3A_157 : vector<1x16xf32> to vector<16xf32>
      %swap3A_159 = vector.shape_cast %add3A_154 : vector<16xf32> to vector<1x16xf32>
      tpu.vector_store %arg7[%swap3A_155, %swap3A_156], %swap3A_159 {strides = array<i32>} : memref<64x768xf32, #tpu.memory_space<vmem>>, vector<1x16xf32>,
      %get3A_160 = arith.index_cast %scan3A_20 : i32 to index
      %get3A_161 = arith.constant 160 : index
      %get3A_162 = tpu.vector_load %arg7[%get3A_160, %get3A_161] {strides = array<i32>} : memref<64x768xf32, #tpu.memory_space<vmem>>, vector<1x16xf32>,
      %get3A_163 = vector.shape_cast %get3A_162 : vector<1x16xf32> to vector<16xf32>
      %get3A_164 = arith.index_cast %scan3A_20 : i32 to index
      %get3A_165 = arith.constant 160 : index
      %get3A_166 = tpu.vector_load %arg8[%get3A_164, %get3A_165] {strides = array<i32>} : memref<64x768xf32, #tpu.memory_space<vmem>>, vector<1x16xf32>,
      %get3A_167 = vector.shape_cast %get3A_166 : vector<1x16xf32> to vector<16xf32>
      %add3A_168 = arith.addf %get3A_163, %get3A_167 : vector<16xf32>
      %swap3A_169 = arith.index_cast %scan3A_20 : i32 to index
      %swap3A_170 = arith.constant 160 : index
      %swap3A_171 = tpu.vector_load %arg7[%swap3A_169, %swap3A_170] {strides = array<i32>} : memref<64x768xf32, #tpu.memory_space<vmem>>, vector<1x16xf32>,
      %swap3A_172 = vector.shape_cast %swap3A_171 : vector<1x16xf32> to vector<16xf32>
      %swap3A_173 = vector.shape_cast %add3A_168 : vector<16xf32> to vector<1x16xf32>
      tpu.vector_store %arg7[%swap3A_169, %swap3A_170], %swap3A_173 {strides = array<i32>} : memref<64x768xf32, #tpu.memory_space<vmem>>, vector<1x16xf32>,
      %get3A_174 = arith.index_cast %scan3A_20 : i32 to index
      %get3A_175 = arith.constant 176 : index
      %get3A_176 = tpu.vector_load %arg7[%get3A_174, %get3A_175] {strides = array<i32>} : memref<64x768xf32, #tpu.memory_space<vmem>>, vector<1x16xf32>,
      %get3A_177 = vector.shape_cast %get3A_176 : vector<1x16xf32> to vector<16xf32>
      %get3A_178 = arith.index_cast %scan3A_20 : i32 to index
      %get3A_179 = arith.constant 176 : index
      %get3A_180 = tpu.vector_load %arg8[%get3A_178, %get3A_179] {strides = array<i32>} : memref<64x768xf32, #tpu.memory_space<vmem>>, vector<1x16xf32>,
      %get3A_181 = vector.shape_cast %get3A_180 : vector<1x16xf32> to vector<16xf32>
      %add3A_182 = arith.addf %get3A_177, %get3A_181 : vector<16xf32>
      %swap3A_183 = arith.index_cast %scan3A_20 : i32 to index
      %swap3A_184 = arith.constant 176 : index
      %swap3A_185 = tpu.vector_load %arg7[%swap3A_183, %swap3A_184] {strides = array<i32>} : memref<64x768xf32, #tpu.memory_space<vmem>>, vector<1x16xf32>,
      %swap3A_186 = vector.shape_cast %swap3A_185 : vector<1x16xf32> to vector<16xf32>
      %swap3A_187 = vector.shape_cast %add3A_182 : vector<16xf32> to vector<1x16xf32>
      tpu.vector_store %arg7[%swap3A_183, %swap3A_184], %swap3A_187 {strides = array<i32>} : memref<64x768xf32, #tpu.memory_space<vmem>>, vector<1x16xf32>,
      %get3A_188 = arith.index_cast %scan3A_20 : i32 to index
      %get3A_189 = arith.constant 192 : index
      %get3A_190 = tpu.vector_load %arg7[%get3A_188, %get3A_189] {strides = array<i32>} : memref<64x768xf32, #tpu.memory_space<vmem>>, vector<1x16xf32>,
      %get3A_191 = vector.shape_cast %get3A_190 : vector<1x16xf32> to vector<16xf32>
      %get3A_192 = arith.index_cast %scan3A_20 : i32 to index
      %get3A_193 = arith.constant 192 : index
      %get3A_194 = tpu.vector_load %arg8[%get3A_192, %get3A_193] {strides = array<i32>} : memref<64x768xf32, #tpu.memory_space<vmem>>, vector<1x16xf32>,
      %get3A_195 = vector.shape_cast %get3A_194 : vector<1x16xf32> to vector<16xf32>
      %add3A_196 = arith.addf %get3A_191, %get3A_195 : vector<16xf32>
      %swap3A_197 = arith.index_cast %scan3A_20 : i32 to index
      %swap3A_198 = arith.constant 192 : index
      %swap3A_199 = tpu.vector_load %arg7[%swap3A_197, %swap3A_198] {strides = array<i32>} : memref<64x768xf32, #tpu.memory_space<vmem>>, vector<1x16xf32>,
      %swap3A_200 = vector.shape_cast %swap3A_199 : vector<1x16xf32> to vector<16xf32>
      %swap3A_201 = vector.shape_cast %add3A_196 : vector<16xf32> to vector<1x16xf32>
      tpu.vector_store %arg7[%swap3A_197, %swap3A_198], %swap3A_201 {strides = array<i32>} : memref<64x768xf32, #tpu.memory_space<vmem>>, vector<1x16xf32>,
      %get3A_202 = arith.index_cast %scan3A_20 : i32 to index
      %get3A_203 = arith.constant 208 : index
      %get3A_204 = tpu.vector_load %arg7[%get3A_202, %get3A_203] {strides = array<i32>} : memref<64x768xf32, #tpu.memory_space<vmem>>, vector<1x16xf32>,
      %get3A_205 = vector.shape_cast %get3A_204 : vector<1x16xf32> to vector<16xf32>
      %get3A_206 = arith.index_cast %scan3A_20 : i32 to index
      %get3A_207 = arith.constant 208 : index
      %get3A_208 = tpu.vector_load %arg8[%get3A_206, %get3A_207] {strides = array<i32>} : memref<64x768xf32, #tpu.memory_space<vmem>>, vector<1x16xf32>,
      %get3A_209 = vector.shape_cast %get3A_208 : vector<1x16xf32> to vector<16xf32>
      %add3A_210 = arith.addf %get3A_205, %get3A_209 : vector<16xf32>
      %swap3A_211 = arith.index_cast %scan3A_20 : i32 to index
      %swap3A_212 = arith.constant 208 : index
      %swap3A_213 = tpu.vector_load %arg7[%swap3A_211, %swap3A_212] {strides = array<i32>} : memref<64x768xf32, #tpu.memory_space<vmem>>, vector<1x16xf32>,
      %swap3A_214 = vector.shape_cast %swap3A_213 : vector<1x16xf32> to vector<16xf32>
      %swap3A_215 = vector.shape_cast %add3A_210 : vector<16xf32> to vector<1x16xf32>
      tpu.vector_store %arg7[%swap3A_211, %swap3A_212], %swap3A_215 {strides = array<i32>} : memref<64x768xf32, #tpu.memory_space<vmem>>, vector<1x16xf32>,
      %get3A_216 = arith.index_cast %scan3A_20 : i32 to index
      %get3A_217 = arith.constant 224 : index
      %get3A_218 = tpu.vector_load %arg7[%get3A_216, %get3A_217] {strides = array<i32>} : memref<64x768xf32, #tpu.memory_space<vmem>>, vector<1x16xf32>,
      %get3A_219 = vector.shape_cast %get3A_218 : vector<1x16xf32> to vector<16xf32>
      %get3A_220 = arith.index_cast %scan3A_20 : i32 to index
      %get3A_221 = arith.constant 224 : index
      %get3A_222 = tpu.vector_load %arg8[%get3A_220, %get3A_221] {strides = array<i32>} : memref<64x768xf32, #tpu.memory_space<vmem>>, vector<1x16xf32>,
      %get3A_223 = vector.shape_cast %get3A_222 : vector<1x16xf32> to vector<16xf32>
      %add3A_224 = arith.addf %get3A_219, %get3A_223 : vector<16xf32>
      %swap3A_225 = arith.index_cast %scan3A_20 : i32 to index
      %swap3A_226 = arith.constant 224 : index
      %swap3A_227 = tpu.vector_load %arg7[%swap3A_225, %swap3A_226] {strides = array<i32>} : memref<64x768xf32, #tpu.memory_space<vmem>>, vector<1x16xf32>,
      %swap3A_228 = vector.shape_cast %swap3A_227 : vector<1x16xf32> to vector<16xf32>
      %swap3A_229 = vector.shape_cast %add3A_224 : vector<16xf32> to vector<1x16xf32>
      tpu.vector_store %arg7[%swap3A_225, %swap3A_226], %swap3A_229 {strides = array<i32>} : memref<64x768xf32, #tpu.memory_space<vmem>>, vector<1x16xf32>,
      %get3A_230 = arith.index_cast %scan3A_20 : i32 to index
      %get3A_231 = arith.constant 240 : index
      %get3A_232 = tpu.vector_load %arg7[%get3A_230, %get3A_231] {strides = array<i32>} : memref<64x768xf32, #tpu.memory_space<vmem>>, vector<1x16xf32>,
      %get3A_233 = vector.shape_cast %get3A_232 : vector<1x16xf32> to vector<16xf32>
      %get3A_234 = arith.index_cast %scan3A_20 : i32 to index
      %get3A_235 = arith.constant 240 : index
      %get3A_236 = tpu.vector_load %arg8[%get3A_234, %get3A_235] {strides = array<i32>} : memref<64x768xf32, #tpu.memory_space<vmem>>, vector<1x16xf32>,
      %get3A_237 = vector.shape_cast %get3A_236 : vector<1x16xf32> to vector<16xf32>
      %add3A_238 = arith.addf %get3A_233, %get3A_237 : vector<16xf32>
      %swap3A_239 = arith.index_cast %scan3A_20 : i32 to index
      %swap3A_240 = arith.constant 240 : index
      %swap3A_241 = tpu.vector_load %arg7[%swap3A_239, %swap3A_240] {strides = array<i32>} : memref<64x768xf32, #tpu.memory_space<vmem>>, vector<1x16xf32>,
      %swap3A_242 = vector.shape_cast %swap3A_241 : vector<1x16xf32> to vector<16xf32>
      %swap3A_243 = vector.shape_cast %add3A_238 : vector<16xf32> to vector<1x16xf32>
      tpu.vector_store %arg7[%swap3A_239, %swap3A_240], %swap3A_243 {strides = array<i32>} : memref<64x768xf32, #tpu.memory_space<vmem>>, vector<1x16xf32>,
      %get3A_244 = arith.index_cast %scan3A_20 : i32 to index
      %get3A_245 = arith.constant 256 : index
      %get3A_246 = tpu.vector_load %arg7[%get3A_244, %get3A_245] {strides = array<i32>} : memref<64x768xf32, #tpu.memory_space<vmem>>, vector<1x16xf32>,
      %get3A_247 = vector.shape_cast %get3A_246 : vector<1x16xf32> to vector<16xf32>
      %get3A_248 = arith.index_cast %scan3A_20 : i32 to index
      %get3A_249 = arith.constant 256 : index
      %get3A_250 = tpu.vector_load %arg8[%get3A_248, %get3A_249] {strides = array<i32>} : memref<64x768xf32, #tpu.memory_space<vmem>>, vector<1x16xf32>,
      %get3A_251 = vector.shape_cast %get3A_250 : vector<1x16xf32> to vector<16xf32>
      %add3A_252 = arith.addf %get3A_247, %get3A_251 : vector<16xf32>
      %swap3A_253 = arith.index_cast %scan3A_20 : i32 to index
      %swap3A_254 = arith.constant 256 : index
      %swap3A_255 = tpu.vector_load %arg7[%swap3A_253, %swap3A_254] {strides = array<i32>} : memref<64x768xf32, #tpu.memory_space<vmem>>, vector<1x16xf32>,
      %swap3A_256 = vector.shape_cast %swap3A_255 : vector<1x16xf32> to vector<16xf32>
      %swap3A_257 = vector.shape_cast %add3A_252 : vector<16xf32> to vector<1x16xf32>
      tpu.vector_store %arg7[%swap3A_253, %swap3A_254], %swap3A_257 {strides = array<i32>} : memref<64x768xf32, #tpu.memory_space<vmem>>, vector<1x16xf32>,
      %get3A_258 = arith.index_cast %scan3A_20 : i32 to index
      %get3A_259 = arith.constant 272 : index
      %get3A_260 = tpu.vector_load %arg7[%get3A_258, %get3A_259] {strides = array<i32>} : memref<64x768xf32, #tpu.memory_space<vmem>>, vector<1x16xf32>,
      %get3A_261 = vector.shape_cast %get3A_260 : vector<1x16xf32> to vector<16xf32>
      %get3A_262 = arith.index_cast %scan3A_20 : i32 to index
      %get3A_263 = arith.constant 272 : index
      %get3A_264 = tpu.vector_load %arg8[%get3A_262, %get3A_263] {strides = array<i32>} : memref<64x768xf32, #tpu.memory_space<vmem>>, vector<1x16xf32>,
      %get3A_265 = vector.shape_cast %get3A_264 : vector<1x16xf32> to vector<16xf32>
      %add3A_266 = arith.addf %get3A_261, %get3A_265 : vector<16xf32>
      %swap3A_267 = arith.index_cast %scan3A_20 : i32 to index
      %swap3A_268 = arith.constant 272 : index
      %swap3A_269 = tpu.vector_load %arg7[%swap3A_267, %swap3A_268] {strides = array<i32>} : memref<64x768xf32, #tpu.memory_space<vmem>>, vector<1x16xf32>,
      %swap3A_270 = vector.shape_cast %swap3A_269 : vector<1x16xf32> to vector<16xf32>
      %swap3A_271 = vector.shape_cast %add3A_266 : vector<16xf32> to vector<1x16xf32>
      tpu.vector_store %arg7[%swap3A_267, %swap3A_268], %swap3A_271 {strides = array<i32>} : memref<64x768xf32, #tpu.memory_space<vmem>>, vector<1x16xf32>,
      %get3A_272 = arith.index_cast %scan3A_20 : i32 to index
      %get3A_273 = arith.constant 288 : index
      %get3A_274 = tpu.vector_load %arg7[%get3A_272, %get3A_273] {strides = array<i32>} : memref<64x768xf32, #tpu.memory_space<vmem>>, vector<1x16xf32>,
      %get3A_275 = vector.shape_cast %get3A_274 : vector<1x16xf32> to vector<16xf32>
      %get3A_276 = arith.index_cast %scan3A_20 : i32 to index
      %get3A_277 = arith.constant 288 : index
      %get3A_278 = tpu.vector_load %arg8[%get3A_276, %get3A_277] {strides = array<i32>} : memref<64x768xf32, #tpu.memory_space<vmem>>, vector<1x16xf32>,
      %get3A_279 = vector.shape_cast %get3A_278 : vector<1x16xf32> to vector<16xf32>
      %add3A_280 = arith.addf %get3A_275, %get3A_279 : vector<16xf32>
      %swap3A_281 = arith.index_cast %scan3A_20 : i32 to index
      %swap3A_282 = arith.constant 288 : index
      %swap3A_283 = tpu.vector_load %arg7[%swap3A_281, %swap3A_282] {strides = array<i32>} : memref<64x768xf32, #tpu.memory_space<vmem>>, vector<1x16xf32>,
      %swap3A_284 = vector.shape_cast %swap3A_283 : vector<1x16xf32> to vector<16xf32>
      %swap3A_285 = vector.shape_cast %add3A_280 : vector<16xf32> to vector<1x16xf32>
      tpu.vector_store %arg7[%swap3A_281, %swap3A_282], %swap3A_285 {strides = array<i32>} : memref<64x768xf32, #tpu.memory_space<vmem>>, vector<1x16xf32>,
      %get3A_286 = arith.index_cast %scan3A_20 : i32 to index
      %get3A_287 = arith.constant 304 : index
      %get3A_288 = tpu.vector_load %arg7[%get3A_286, %get3A_287] {strides = array<i32>} : memref<64x768xf32, #tpu.memory_space<vmem>>, vector<1x16xf32>,
      %get3A_289 = vector.shape_cast %get3A_288 : vector<1x16xf32> to vector<16xf32>
      %get3A_290 = arith.index_cast %scan3A_20 : i32 to index
      %get3A_291 = arith.constant 304 : index
      %get3A_292 = tpu.vector_load %arg8[%get3A_290, %get3A_291] {strides = array<i32>} : memref<64x768xf32, #tpu.memory_space<vmem>>, vector<1x16xf32>,
      %get3A_293 = vector.shape_cast %get3A_292 : vector<1x16xf32> to vector<16xf32>
      %add3A_294 = arith.addf %get3A_289, %get3A_293 : vector<16xf32>
      %swap3A_295 = arith.index_cast %scan3A_20 : i32 to index
      %swap3A_296 = arith.constant 304 : index
      %swap3A_297 = tpu.vector_load %arg7[%swap3A_295, %swap3A_296] {strides = array<i32>} : memref<64x768xf32, #tpu.memory_space<vmem>>, vector<1x16xf32>,
      %swap3A_298 = vector.shape_cast %swap3A_297 : vector<1x16xf32> to vector<16xf32>
      %swap3A_299 = vector.shape_cast %add3A_294 : vector<16xf32> to vector<1x16xf32>
      tpu.vector_store %arg7[%swap3A_295, %swap3A_296], %swap3A_299 {strides = array<i32>} : memref<64x768xf32, #tpu.memory_space<vmem>>, vector<1x16xf32>,
      %get3A_300 = arith.index_cast %scan3A_20 : i32 to index
      %get3A_301 = arith.constant 320 : index
      %get3A_302 = tpu.vector_load %arg7[%get3A_300, %get3A_301] {strides = array<i32>} : memref<64x768xf32, #tpu.memory_space<vmem>>, vector<1x16xf32>,
      %get3A_303 = vector.shape_cast %get3A_302 : vector<1x16xf32> to vector<16xf32>
      %get3A_304 = arith.index_cast %scan3A_20 : i32 to index
      %get3A_305 = arith.constant 320 : index
      %get3A_306 = tpu.vector_load %arg8[%get3A_304, %get3A_305] {strides = array<i32>} : memref<64x768xf32, #tpu.memory_space<vmem>>, vector<1x16xf32>,
      %get3A_307 = vector.shape_cast %get3A_306 : vector<1x16xf32> to vector<16xf32>
      %add3A_308 = arith.addf %get3A_303, %get3A_307 : vector<16xf32>
      %swap3A_309 = arith.index_cast %scan3A_20 : i32 to index
      %swap3A_310 = arith.constant 320 : index
      %swap3A_311 = tpu.vector_load %arg7[%swap3A_309, %swap3A_310] {strides = array<i32>} : memref<64x768xf32, #tpu.memory_space<vmem>>, vector<1x16xf32>,
      %swap3A_312 = vector.shape_cast %swap3A_311 : vector<1x16xf32> to vector<16xf32>
      %swap3A_313 = vector.shape_cast %add3A_308 : vector<16xf32> to vector<1x16xf32>
      tpu.vector_store %arg7[%swap3A_309, %swap3A_310], %swap3A_313 {strides = array<i32>} : memref<64x768xf32, #tpu.memory_space<vmem>>, vector<1x16xf32>,
      %get3A_314 = arith.index_cast %scan3A_20 : i32 to index
      %get3A_315 = arith.constant 336 : index
      %get3A_316 = tpu.vector_load %arg7[%get3A_314, %get3A_315] {strides = array<i32>} : memref<64x768xf32, #tpu.memory_space<vmem>>, vector<1x16xf32>,
      %get3A_317 = vector.shape_cast %get3A_316 : vector<1x16xf32> to vector<16xf32>
      %get3A_318 = arith.index_cast %scan3A_20 : i32 to index
      %get3A_319 = arith.constant 336 : index
      %get3A_320 = tpu.vector_load %arg8[%get3A_318, %get3A_319] {strides = array<i32>} : memref<64x768xf32, #tpu.memory_space<vmem>>, vector<1x16xf32>,
      %get3A_321 = vector.shape_cast %get3A_320 : vector<1x16xf32> to vector<16xf32>
      %add3A_322 = arith.addf %get3A_317, %get3A_321 : vector<16xf32>
      %swap3A_323 = arith.index_cast %scan3A_20 : i32 to index
      %swap3A_324 = arith.constant 336 : index
      %swap3A_325 = tpu.vector_load %arg7[%swap3A_323, %swap3A_324] {strides = array<i32>} : memref<64x768xf32, #tpu.memory_space<vmem>>, vector<1x16xf32>,
      %swap3A_326 = vector.shape_cast %swap3A_325 : vector<1x16xf32> to vector<16xf32>
      %swap3A_327 = vector.shape_cast %add3A_322 : vector<16xf32> to vector<1x16xf32>
      tpu.vector_store %arg7[%swap3A_323, %swap3A_324], %swap3A_327 {strides = array<i32>} : memref<64x768xf32, #tpu.memory_space<vmem>>, vector<1x16xf32>,
      %get3A_328 = arith.index_cast %scan3A_20 : i32 to index
      %get3A_329 = arith.constant 352 : index
      %get3A_330 = tpu.vector_load %arg7[%get3A_328, %get3A_329] {strides = array<i32>} : memref<64x768xf32, #tpu.memory_space<vmem>>, vector<1x16xf32>,
      %get3A_331 = vector.shape_cast %get3A_330 : vector<1x16xf32> to vector<16xf32>
      %get3A_332 = arith.index_cast %scan3A_20 : i32 to index
      %get3A_333 = arith.constant 352 : index
      %get3A_334 = tpu.vector_load %arg8[%get3A_332, %get3A_333] {strides = array<i32>} : memref<64x768xf32, #tpu.memory_space<vmem>>, vector<1x16xf32>,
      %get3A_335 = vector.shape_cast %get3A_334 : vector<1x16xf32> to vector<16xf32>
      %add3A_336 = arith.addf %get3A_331, %get3A_335 : vector<16xf32>
      %swap3A_337 = arith.index_cast %scan3A_20 : i32 to index
      %swap3A_338 = arith.constant 352 : index
      %swap3A_339 = tpu.vector_load %arg7[%swap3A_337, %swap3A_338] {strides = array<i32>} : memref<64x768xf32, #tpu.memory_space<vmem>>, vector<1x16xf32>,
      %swap3A_340 = vector.shape_cast %swap3A_339 : vector<1x16xf32> to vector<16xf32>
      %swap3A_341 = vector.shape_cast %add3A_336 : vector<16xf32> to vector<1x16xf32>
      tpu.vector_store %arg7[%swap3A_337, %swap3A_338], %swap3A_341 {strides = array<i32>} : memref<64x768xf32, #tpu.memory_space<vmem>>, vector<1x16xf32>,
      %get3A_342 = arith.index_cast %scan3A_20 : i32 to index
      %get3A_343 = arith.constant 368 : index
      %get3A_344 = tpu.vector_load %arg7[%get3A_342, %get3A_343] {strides = array<i32>} : memref<64x768xf32, #tpu.memory_space<vmem>>, vector<1x16xf32>,
      %get3A_345 = vector.shape_cast %get3A_344 : vector<1x16xf32> to vector<16xf32>
      %get3A_346 = arith.index_cast %scan3A_20 : i32 to index
      %get3A_347 = arith.constant 368 : index
      %get3A_348 = tpu.vector_load %arg8[%get3A_346, %get3A_347] {strides = array<i32>} : memref<64x768xf32, #tpu.memory_space<vmem>>, vector<1x16xf32>,
      %get3A_349 = vector.shape_cast %get3A_348 : vector<1x16xf32> to vector<16xf32>
      %add3A_350 = arith.addf %get3A_345, %get3A_349 : vector<16xf32>
      %swap3A_351 = arith.index_cast %scan3A_20 : i32 to index
      %swap3A_352 = arith.constant 368 : index
      %swap3A_353 = tpu.vector_load %arg7[%swap3A_351, %swap3A_352] {strides = array<i32>} : memref<64x768xf32, #tpu.memory_space<vmem>>, vector<1x16xf32>,
      %swap3A_354 = vector.shape_cast %swap3A_353 : vector<1x16xf32> to vector<16xf32>
      %swap3A_355 = vector.shape_cast %add3A_350 : vector<16xf32> to vector<1x16xf32>
      tpu.vector_store %arg7[%swap3A_351, %swap3A_352], %swap3A_355 {strides = array<i32>} : memref<64x768xf32, #tpu.memory_space<vmem>>, vector<1x16xf32>,
      %get3A_356 = arith.index_cast %scan3A_20 : i32 to index
      %get3A_357 = arith.constant 384 : index
      %get3A_358 = tpu.vector_load %arg7[%get3A_356, %get3A_357] {strides = array<i32>} : memref<64x768xf32, #tpu.memory_space<vmem>>, vector<1x16xf32>,
      %get3A_359 = vector.shape_cast %get3A_358 : vector<1x16xf32> to vector<16xf32>
      %get3A_360 = arith.index_cast %scan3A_20 : i32 to index
      %get3A_361 = arith.constant 384 : index
      %get3A_362 = tpu.vector_load %arg8[%get3A_360, %get3A_361] {strides = array<i32>} : memref<64x768xf32, #tpu.memory_space<vmem>>, vector<1x16xf32>,
      %get3A_363 = vector.shape_cast %get3A_362 : vector<1x16xf32> to vector<16xf32>
      %add3A_364 = arith.addf %get3A_359, %get3A_363 : vector<16xf32>
      %swap3A_365 = arith.index_cast %scan3A_20 : i32 to index
      %swap3A_366 = arith.constant 384 : index
      %swap3A_367 = tpu.vector_load %arg7[%swap3A_365, %swap3A_366] {strides = array<i32>} : memref<64x768xf32, #tpu.memory_space<vmem>>, vector<1x16xf32>,
      %swap3A_368 = vector.shape_cast %swap3A_367 : vector<1x16xf32> to vector<16xf32>
      %swap3A_369 = vector.shape_cast %add3A_364 : vector<16xf32> to vector<1x16xf32>
      tpu.vector_store %arg7[%swap3A_365, %swap3A_366], %swap3A_369 {strides = array<i32>} : memref<64x768xf32, #tpu.memory_space<vmem>>, vector<1x16xf32>,
      %get3A_370 = arith.index_cast %scan3A_20 : i32 to index
      %get3A_371 = arith.constant 400 : index
      %get3A_372 = tpu.vector_load %arg7[%get3A_370, %get3A_371] {strides = array<i32>} : memref<64x768xf32, #tpu.memory_space<vmem>>, vector<1x16xf32>,
      %get3A_373 = vector.shape_cast %get3A_372 : vector<1x16xf32> to vector<16xf32>
      %get3A_374 = arith.index_cast %scan3A_20 : i32 to index
      %get3A_375 = arith.constant 400 : index
      %get3A_376 = tpu.vector_load %arg8[%get3A_374, %get3A_375] {strides = array<i32>} : memref<64x768xf32, #tpu.memory_space<vmem>>, vector<1x16xf32>,
      %get3A_377 = vector.shape_cast %get3A_376 : vector<1x16xf32> to vector<16xf32>
      %add3A_378 = arith.addf %get3A_373, %get3A_377 : vector<16xf32>
      %swap3A_379 = arith.index_cast %scan3A_20 : i32 to index
      %swap3A_380 = arith.constant 400 : index
      %swap3A_381 = tpu.vector_load %arg7[%swap3A_379, %swap3A_380] {strides = array<i32>} : memref<64x768xf32, #tpu.memory_space<vmem>>, vector<1x16xf32>,
      %swap3A_382 = vector.shape_cast %swap3A_381 : vector<1x16xf32> to vector<16xf32>
      %swap3A_383 = vector.shape_cast %add3A_378 : vector<16xf32> to vector<1x16xf32>
      tpu.vector_store %arg7[%swap3A_379, %swap3A_380], %swap3A_383 {strides = array<i32>} : memref<64x768xf32, #tpu.memory_space<vmem>>, vector<1x16xf32>,
      %get3A_384 = arith.index_cast %scan3A_20 : i32 to index
      %get3A_385 = arith.constant 416 : index
      %get3A_386 = tpu.vector_load %arg7[%get3A_384, %get3A_385] {strides = array<i32>} : memref<64x768xf32, #tpu.memory_space<vmem>>, vector<1x16xf32>,
      %get3A_387 = vector.shape_cast %get3A_386 : vector<1x16xf32> to vector<16xf32>
      %get3A_388 = arith.index_cast %scan3A_20 : i32 to index
      %get3A_389 = arith.constant 416 : index
      %get3A_390 = tpu.vector_load %arg8[%get3A_388, %get3A_389] {strides = array<i32>} : memref<64x768xf32, #tpu.memory_space<vmem>>, vector<1x16xf32>,
      %get3A_391 = vector.shape_cast %get3A_390 : vector<1x16xf32> to vector<16xf32>
      %add3A_392 = arith.addf %get3A_387, %get3A_391 : vector<16xf32>
      %swap3A_393 = arith.index_cast %scan3A_20 : i32 to index
      %swap3A_394 = arith.constant 416 : index
      %swap3A_395 = tpu.vector_load %arg7[%swap3A_393, %swap3A_394] {strides = array<i32>} : memref<64x768xf32, #tpu.memory_space<vmem>>, vector<1x16xf32>,
      %swap3A_396 = vector.shape_cast %swap3A_395 : vector<1x16xf32> to vector<16xf32>
      %swap3A_397 = vector.shape_cast %add3A_392 : vector<16xf32> to vector<1x16xf32>
      tpu.vector_store %arg7[%swap3A_393, %swap3A_394], %swap3A_397 {strides = array<i32>} : memref<64x768xf32, #tpu.memory_space<vmem>>, vector<1x16xf32>,
      %get3A_398 = arith.index_cast %scan3A_20 : i32 to index
      %get3A_399 = arith.constant 432 : index
      %get3A_400 = tpu.vector_load %arg7[%get3A_398, %get3A_399] {strides = array<i32>} : memref<64x768xf32, #tpu.memory_space<vmem>>, vector<1x16xf32>,
      %get3A_401 = vector.shape_cast %get3A_400 : vector<1x16xf32> to vector<16xf32>
      %get3A_402 = arith.index_cast %scan3A_20 : i32 to index
      %get3A_403 = arith.constant 432 : index
      %get3A_404 = tpu.vector_load %arg8[%get3A_402, %get3A_403] {strides = array<i32>} : memref<64x768xf32, #tpu.memory_space<vmem>>, vector<1x16xf32>,
      %get3A_405 = vector.shape_cast %get3A_404 : vector<1x16xf32> to vector<16xf32>
      %add3A_406 = arith.addf %get3A_401, %get3A_405 : vector<16xf32>
      %swap3A_407 = arith.index_cast %scan3A_20 : i32 to index
      %swap3A_408 = arith.constant 432 : index
      %swap3A_409 = tpu.vector_load %arg7[%swap3A_407, %swap3A_408] {strides = array<i32>} : memref<64x768xf32, #tpu.memory_space<vmem>>, vector<1x16xf32>,
      %swap3A_410 = vector.shape_cast %swap3A_409 : vector<1x16xf32> to vector<16xf32>
      %swap3A_411 = vector.shape_cast %add3A_406 : vector<16xf32> to vector<1x16xf32>
      tpu.vector_store %arg7[%swap3A_407, %swap3A_408], %swap3A_411 {strides = array<i32>} : memref<64x768xf32, #tpu.memory_space<vmem>>, vector<1x16xf32>,
      %get3A_412 = arith.index_cast %scan3A_20 : i32 to index
      %get3A_413 = arith.constant 448 : index
      %get3A_414 = tpu.vector_load %arg7[%get3A_412, %get3A_413] {strides = array<i32>} : memref<64x768xf32, #tpu.memory_space<vmem>>, vector<1x16xf32>,
      %get3A_415 = vector.shape_cast %get3A_414 : vector<1x16xf32> to vector<16xf32>
      %get3A_416 = arith.index_cast %scan3A_20 : i32 to index
      %get3A_417 = arith.constant 448 : index
      %get3A_418 = tpu.vector_load %arg8[%get3A_416, %get3A_417] {strides = array<i32>} : memref<64x768xf32, #tpu.memory_space<vmem>>, vector<1x16xf32>,
      %get3A_419 = vector.shape_cast %get3A_418 : vector<1x16xf32> to vector<16xf32>
      %add3A_420 = arith.addf %get3A_415, %get3A_419 : vector<16xf32>
      %swap3A_421 = arith.index_cast %scan3A_20 : i32 to index
      %swap3A_422 = arith.constant 448 : index
      %swap3A_423 = tpu.vector_load %arg7[%swap3A_421, %swap3A_422] {strides = array<i32>} : memref<64x768xf32, #tpu.memory_space<vmem>>, vector<1x16xf32>,
      %swap3A_424 = vector.shape_cast %swap3A_423 : vector<1x16xf32> to vector<16xf32>
      %swap3A_425 = vector.shape_cast %add3A_420 : vector<16xf32> to vector<1x16xf32>
      tpu.vector_store %arg7[%swap3A_421, %swap3A_422], %swap3A_425 {strides = array<i32>} : memref<64x768xf32, #tpu.memory_space<vmem>>, vector<1x16xf32>,
      %get3A_426 = arith.index_cast %scan3A_20 : i32 to index
      %get3A_427 = arith.constant 464 : index
      %get3A_428 = tpu.vector_load %arg7[%get3A_426, %get3A_427] {strides = array<i32>} : memref<64x768xf32, #tpu.memory_space<vmem>>, vector<1x16xf32>,
      %get3A_429 = vector.shape_cast %get3A_428 : vector<1x16xf32> to vector<16xf32>
      %get3A_430 = arith.index_cast %scan3A_20 : i32 to index
      %get3A_431 = arith.constant 464 : index
      %get3A_432 = tpu.vector_load %arg8[%get3A_430, %get3A_431] {strides = array<i32>} : memref<64x768xf32, #tpu.memory_space<vmem>>, vector<1x16xf32>,
      %get3A_433 = vector.shape_cast %get3A_432 : vector<1x16xf32> to vector<16xf32>
      %add3A_434 = arith.addf %get3A_429, %get3A_433 : vector<16xf32>
      %swap3A_435 = arith.index_cast %scan3A_20 : i32 to index
      %swap3A_436 = arith.constant 464 : index
      %swap3A_437 = tpu.vector_load %arg7[%swap3A_435, %swap3A_436] {strides = array<i32>} : memref<64x768xf32, #tpu.memory_space<vmem>>, vector<1x16xf32>,
      %swap3A_438 = vector.shape_cast %swap3A_437 : vector<1x16xf32> to vector<16xf32>
      %swap3A_439 = vector.shape_cast %add3A_434 : vector<16xf32> to vector<1x16xf32>
      tpu.vector_store %arg7[%swap3A_435, %swap3A_436], %swap3A_439 {strides = array<i32>} : memref<64x768xf32, #tpu.memory_space<vmem>>, vector<1x16xf32>,
      %get3A_440 = arith.index_cast %scan3A_20 : i32 to index
      %get3A_441 = arith.constant 480 : index
      %get3A_442 = tpu.vector_load %arg7[%get3A_440, %get3A_441] {strides = array<i32>} : memref<64x768xf32, #tpu.memory_space<vmem>>, vector<1x16xf32>,
      %get3A_443 = vector.shape_cast %get3A_442 : vector<1x16xf32> to vector<16xf32>
      %get3A_444 = arith.index_cast %scan3A_20 : i32 to index
      %get3A_445 = arith.constant 480 : index
      %get3A_446 = tpu.vector_load %arg8[%get3A_444, %get3A_445] {strides = array<i32>} : memref<64x768xf32, #tpu.memory_space<vmem>>, vector<1x16xf32>,
      %get3A_447 = vector.shape_cast %get3A_446 : vector<1x16xf32> to vector<16xf32>
      %add3A_448 = arith.addf %get3A_443, %get3A_447 : vector<16xf32>
      %swap3A_449 = arith.index_cast %scan3A_20 : i32 to index
      %swap3A_450 = arith.constant 480 : index
      %swap3A_451 = tpu.vector_load %arg7[%swap3A_449, %swap3A_450] {strides = array<i32>} : memref<64x768xf32, #tpu.memory_space<vmem>>, vector<1x16xf32>,
      %swap3A_452 = vector.shape_cast %swap3A_451 : vector<1x16xf32> to vector<16xf32>
      %swap3A_453 = vector.shape_cast %add3A_448 : vector<16xf32> to vector<1x16xf32>
      tpu.vector_store %arg7[%swap3A_449, %swap3A_450], %swap3A_453 {strides = array<i32>} : memref<64x768xf32, #tpu.memory_space<vmem>>, vector<1x16xf32>,
      %get3A_454 = arith.index_cast %scan3A_20 : i32 to index
      %get3A_455 = arith.constant 496 : index
      %get3A_456 = tpu.vector_load %arg7[%get3A_454, %get3A_455] {strides = array<i32>} : memref<64x768xf32, #tpu.memory_space<vmem>>, vector<1x16xf32>,
      %get3A_457 = vector.shape_cast %get3A_456 : vector<1x16xf32> to vector<16xf32>
      %get3A_458 = arith.index_cast %scan3A_20 : i32 to index
      %get3A_459 = arith.constant 496 : index
      %get3A_460 = tpu.vector_load %arg8[%get3A_458, %get3A_459] {strides = array<i32>} : memref<64x768xf32, #tpu.memory_space<vmem>>, vector<1x16xf32>,
      %get3A_461 = vector.shape_cast %get3A_460 : vector<1x16xf32> to vector<16xf32>
      %add3A_462 = arith.addf %get3A_457, %get3A_461 : vector<16xf32>
      %swap3A_463 = arith.index_cast %scan3A_20 : i32 to index
      %swap3A_464 = arith.constant 496 : index
      %swap3A_465 = tpu.vector_load %arg7[%swap3A_463, %swap3A_464] {strides = array<i32>} : memref<64x768xf32, #tpu.memory_space<vmem>>, vector<1x16xf32>,
      %swap3A_466 = vector.shape_cast %swap3A_465 : vector<1x16xf32> to vector<16xf32>
      %swap3A_467 = vector.shape_cast %add3A_462 : vector<16xf32> to vector<1x16xf32>
      tpu.vector_store %arg7[%swap3A_463, %swap3A_464], %swap3A_467 {strides = array<i32>} : memref<64x768xf32, #tpu.memory_space<vmem>>, vector<1x16xf32>,
      %get3A_468 = arith.index_cast %scan3A_20 : i32 to index
      %get3A_469 = arith.constant 512 : index
      %get3A_470 = tpu.vector_load %arg7[%get3A_468, %get3A_469] {strides = array<i32>} : memref<64x768xf32, #tpu.memory_space<vmem>>, vector<1x16xf32>,
      %get3A_471 = vector.shape_cast %get3A_470 : vector<1x16xf32> to vector<16xf32>
      %get3A_472 = arith.index_cast %scan3A_20 : i32 to index
      %get3A_473 = arith.constant 512 : index
      %get3A_474 = tpu.vector_load %arg8[%get3A_472, %get3A_473] {strides = array<i32>} : memref<64x768xf32, #tpu.memory_space<vmem>>, vector<1x16xf32>,
      %get3A_475 = vector.shape_cast %get3A_474 : vector<1x16xf32> to vector<16xf32>
      %add3A_476 = arith.addf %get3A_471, %get3A_475 : vector<16xf32>
      %swap3A_477 = arith.index_cast %scan3A_20 : i32 to index
      %swap3A_478 = arith.constant 512 : index
      %swap3A_479 = tpu.vector_load %arg7[%swap3A_477, %swap3A_478] {strides = array<i32>} : memref<64x768xf32, #tpu.memory_space<vmem>>, vector<1x16xf32>,
      %swap3A_480 = vector.shape_cast %swap3A_479 : vector<1x16xf32> to vector<16xf32>
      %swap3A_481 = vector.shape_cast %add3A_476 : vector<16xf32> to vector<1x16xf32>
      tpu.vector_store %arg7[%swap3A_477, %swap3A_478], %swap3A_481 {strides = array<i32>} : memref<64x768xf32, #tpu.memory_space<vmem>>, vector<1x16xf32>,
      %get3A_482 = arith.index_cast %scan3A_20 : i32 to index
      %get3A_483 = arith.constant 528 : index
      %get3A_484 = tpu.vector_load %arg7[%get3A_482, %get3A_483] {strides = array<i32>} : memref<64x768xf32, #tpu.memory_space<vmem>>, vector<1x16xf32>,
      %get3A_485 = vector.shape_cast %get3A_484 : vector<1x16xf32> to vector<16xf32>
      %get3A_486 = arith.index_cast %scan3A_20 : i32 to index
      %get3A_487 = arith.constant 528 : index
      %get3A_488 = tpu.vector_load %arg8[%get3A_486, %get3A_487] {strides = array<i32>} : memref<64x768xf32, #tpu.memory_space<vmem>>, vector<1x16xf32>,
      %get3A_489 = vector.shape_cast %get3A_488 : vector<1x16xf32> to vector<16xf32>
      %add3A_490 = arith.addf %get3A_485, %get3A_489 : vector<16xf32>
      %swap3A_491 = arith.index_cast %scan3A_20 : i32 to index
      %swap3A_492 = arith.constant 528 : index
      %swap3A_493 = tpu.vector_load %arg7[%swap3A_491, %swap3A_492] {strides = array<i32>} : memref<64x768xf32, #tpu.memory_space<vmem>>, vector<1x16xf32>,
      %swap3A_494 = vector.shape_cast %swap3A_493 : vector<1x16xf32> to vector<16xf32>
      %swap3A_495 = vector.shape_cast %add3A_490 : vector<16xf32> to vector<1x16xf32>
      tpu.vector_store %arg7[%swap3A_491, %swap3A_492], %swap3A_495 {strides = array<i32>} : memref<64x768xf32, #tpu.memory_space<vmem>>, vector<1x16xf32>,
      %get3A_496 = arith.index_cast %scan3A_20 : i32 to index
      %get3A_497 = arith.constant 544 : index
      %get3A_498 = tpu.vector_load %arg7[%get3A_496, %get3A_497] {strides = array<i32>} : memref<64x768xf32, #tpu.memory_space<vmem>>, vector<1x16xf32>,
      %get3A_499 = vector.shape_cast %get3A_498 : vector<1x16xf32> to vector<16xf32>
      %get3A_500 = arith.index_cast %scan3A_20 : i32 to index
      %get3A_501 = arith.constant 544 : index
      %get3A_502 = tpu.vector_load %arg8[%get3A_500, %get3A_501] {strides = array<i32>} : memref<64x768xf32, #tpu.memory_space<vmem>>, vector<1x16xf32>,
      %get3A_503 = vector.shape_cast %get3A_502 : vector<1x16xf32> to vector<16xf32>
      %add3A_504 = arith.addf %get3A_499, %get3A_503 : vector<16xf32>
      %swap3A_505 = arith.index_cast %scan3A_20 : i32 to index
      %swap3A_506 = arith.constant 544 : index
      %swap3A_507 = tpu.vector_load %arg7[%swap3A_505, %swap3A_506] {strides = array<i32>} : memref<64x768xf32, #tpu.memory_space<vmem>>, vector<1x16xf32>,
      %swap3A_508 = vector.shape_cast %swap3A_507 : vector<1x16xf32> to vector<16xf32>
      %swap3A_509 = vector.shape_cast %add3A_504 : vector<16xf32> to vector<1x16xf32>
      tpu.vector_store %arg7[%swap3A_505, %swap3A_506], %swap3A_509 {strides = array<i32>} : memref<64x768xf32, #tpu.memory_space<vmem>>, vector<1x16xf32>,
      %get3A_510 = arith.index_cast %scan3A_20 : i32 to index
      %get3A_511 = arith.constant 560 : index
      %get3A_512 = tpu.vector_load %arg7[%get3A_510, %get3A_511] {strides = array<i32>} : memref<64x768xf32, #tpu.memory_space<vmem>>, vector<1x16xf32>,
      %get3A_513 = vector.shape_cast %get3A_512 : vector<1x16xf32> to vector<16xf32>
      %get3A_514 = arith.index_cast %scan3A_20 : i32 to index
      %get3A_515 = arith.constant 560 : index
      %get3A_516 = tpu.vector_load %arg8[%get3A_514, %get3A_515] {strides = array<i32>} : memref<64x768xf32, #tpu.memory_space<vmem>>, vector<1x16xf32>,
      %get3A_517 = vector.shape_cast %get3A_516 : vector<1x16xf32> to vector<16xf32>
      %add3A_518 = arith.addf %get3A_513, %get3A_517 : vector<16xf32>
      %swap3A_519 = arith.index_cast %scan3A_20 : i32 to index
      %swap3A_520 = arith.constant 560 : index
      %swap3A_521 = tpu.vector_load %arg7[%swap3A_519, %swap3A_520] {strides = array<i32>} : memref<64x768xf32, #tpu.memory_space<vmem>>, vector<1x16xf32>,
      %swap3A_522 = vector.shape_cast %swap3A_521 : vector<1x16xf32> to vector<16xf32>
      %swap3A_523 = vector.shape_cast %add3A_518 : vector<16xf32> to vector<1x16xf32>
      tpu.vector_store %arg7[%swap3A_519, %swap3A_520], %swap3A_523 {strides = array<i32>} : memref<64x768xf32, #tpu.memory_space<vmem>>, vector<1x16xf32>,
      %get3A_524 = arith.index_cast %scan3A_20 : i32 to index
      %get3A_525 = arith.constant 576 : index
      %get3A_526 = tpu.vector_load %arg7[%get3A_524, %get3A_525] {strides = array<i32>} : memref<64x768xf32, #tpu.memory_space<vmem>>, vector<1x16xf32>,
      %get3A_527 = vector.shape_cast %get3A_526 : vector<1x16xf32> to vector<16xf32>
      %get3A_528 = arith.index_cast %scan3A_20 : i32 to index
      %get3A_529 = arith.constant 576 : index
      %get3A_530 = tpu.vector_load %arg8[%get3A_528, %get3A_529] {strides = array<i32>} : memref<64x768xf32, #tpu.memory_space<vmem>>, vector<1x16xf32>,
      %get3A_531 = vector.shape_cast %get3A_530 : vector<1x16xf32> to vector<16xf32>
      %add3A_532 = arith.addf %get3A_527, %get3A_531 : vector<16xf32>
      %swap3A_533 = arith.index_cast %scan3A_20 : i32 to index
      %swap3A_534 = arith.constant 576 : index
      %swap3A_535 = tpu.vector_load %arg7[%swap3A_533, %swap3A_534] {strides = array<i32>} : memref<64x768xf32, #tpu.memory_space<vmem>>, vector<1x16xf32>,
      %swap3A_536 = vector.shape_cast %swap3A_535 : vector<1x16xf32> to vector<16xf32>
      %swap3A_537 = vector.shape_cast %add3A_532 : vector<16xf32> to vector<1x16xf32>
      tpu.vector_store %arg7[%swap3A_533, %swap3A_534], %swap3A_537 {strides = array<i32>} : memref<64x768xf32, #tpu.memory_space<vmem>>, vector<1x16xf32>,
      %get3A_538 = arith.index_cast %scan3A_20 : i32 to index
      %get3A_539 = arith.constant 592 : index
      %get3A_540 = tpu.vector_load %arg7[%get3A_538, %get3A_539] {strides = array<i32>} : memref<64x768xf32, #tpu.memory_space<vmem>>, vector<1x16xf32>,
      %get3A_541 = vector.shape_cast %get3A_540 : vector<1x16xf32> to vector<16xf32>
      %get3A_542 = arith.index_cast %scan3A_20 : i32 to index
      %get3A_543 = arith.constant 592 : index
      %get3A_544 = tpu.vector_load %arg8[%get3A_542, %get3A_543] {strides = array<i32>} : memref<64x768xf32, #tpu.memory_space<vmem>>, vector<1x16xf32>,
      %get3A_545 = vector.shape_cast %get3A_544 : vector<1x16xf32> to vector<16xf32>
      %add3A_546 = arith.addf %get3A_541, %get3A_545 : vector<16xf32>
      %swap3A_547 = arith.index_cast %scan3A_20 : i32 to index
      %swap3A_548 = arith.constant 592 : index
      %swap3A_549 = tpu.vector_load %arg7[%swap3A_547, %swap3A_548] {strides = array<i32>} : memref<64x768xf32, #tpu.memory_space<vmem>>, vector<1x16xf32>,
      %swap3A_550 = vector.shape_cast %swap3A_549 : vector<1x16xf32> to vector<16xf32>
      %swap3A_551 = vector.shape_cast %add3A_546 : vector<16xf32> to vector<1x16xf32>
      tpu.vector_store %arg7[%swap3A_547, %swap3A_548], %swap3A_551 {strides = array<i32>} : memref<64x768xf32, #tpu.memory_space<vmem>>, vector<1x16xf32>,
      %get3A_552 = arith.index_cast %scan3A_20 : i32 to index
      %get3A_553 = arith.constant 608 : index
      %get3A_554 = tpu.vector_load %arg7[%get3A_552, %get3A_553] {strides = array<i32>} : memref<64x768xf32, #tpu.memory_space<vmem>>, vector<1x16xf32>,
      %get3A_555 = vector.shape_cast %get3A_554 : vector<1x16xf32> to vector<16xf32>
      %get3A_556 = arith.index_cast %scan3A_20 : i32 to index
      %get3A_557 = arith.constant 608 : index
      %get3A_558 = tpu.vector_load %arg8[%get3A_556, %get3A_557] {strides = array<i32>} : memref<64x768xf32, #tpu.memory_space<vmem>>, vector<1x16xf32>,
      %get3A_559 = vector.shape_cast %get3A_558 : vector<1x16xf32> to vector<16xf32>
      %add3A_560 = arith.addf %get3A_555, %get3A_559 : vector<16xf32>
      %swap3A_561 = arith.index_cast %scan3A_20 : i32 to index
      %swap3A_562 = arith.constant 608 : index
      %swap3A_563 = tpu.vector_load %arg7[%swap3A_561, %swap3A_562] {strides = array<i32>} : memref<64x768xf32, #tpu.memory_space<vmem>>, vector<1x16xf32>,
      %swap3A_564 = vector.shape_cast %swap3A_563 : vector<1x16xf32> to vector<16xf32>
      %swap3A_565 = vector.shape_cast %add3A_560 : vector<16xf32> to vector<1x16xf32>
      tpu.vector_store %arg7[%swap3A_561, %swap3A_562], %swap3A_565 {strides = array<i32>} : memref<64x768xf32, #tpu.memory_space<vmem>>, vector<1x16xf32>,
      %get3A_566 = arith.index_cast %scan3A_20 : i32 to index
      %get3A_567 = arith.constant 624 : index
      %get3A_568 = tpu.vector_load %arg7[%get3A_566, %get3A_567] {strides = array<i32>} : memref<64x768xf32, #tpu.memory_space<vmem>>, vector<1x16xf32>,
      %get3A_569 = vector.shape_cast %get3A_568 : vector<1x16xf32> to vector<16xf32>
      %get3A_570 = arith.index_cast %scan3A_20 : i32 to index
      %get3A_571 = arith.constant 624 : index
      %get3A_572 = tpu.vector_load %arg8[%get3A_570, %get3A_571] {strides = array<i32>} : memref<64x768xf32, #tpu.memory_space<vmem>>, vector<1x16xf32>,
      %get3A_573 = vector.shape_cast %get3A_572 : vector<1x16xf32> to vector<16xf32>
      %add3A_574 = arith.addf %get3A_569, %get3A_573 : vector<16xf32>
      %swap3A_575 = arith.index_cast %scan3A_20 : i32 to index
      %swap3A_576 = arith.constant 624 : index
      %swap3A_577 = tpu.vector_load %arg7[%swap3A_575, %swap3A_576] {strides = array<i32>} : memref<64x768xf32, #tpu.memory_space<vmem>>, vector<1x16xf32>,
      %swap3A_578 = vector.shape_cast %swap3A_577 : vector<1x16xf32> to vector<16xf32>
      %swap3A_579 = vector.shape_cast %add3A_574 : vector<16xf32> to vector<1x16xf32>
      tpu.vector_store %arg7[%swap3A_575, %swap3A_576], %swap3A_579 {strides = array<i32>} : memref<64x768xf32, #tpu.memory_space<vmem>>, vector<1x16xf32>,
      %get3A_580 = arith.index_cast %scan3A_20 : i32 to index
      %get3A_581 = arith.constant 640 : index
      %get3A_582 = tpu.vector_load %arg7[%get3A_580, %get3A_581] {strides = array<i32>} : memref<64x768xf32, #tpu.memory_space<vmem>>, vector<1x16xf32>,
      %get3A_583 = vector.shape_cast %get3A_582 : vector<1x16xf32> to vector<16xf32>
      %get3A_584 = arith.index_cast %scan3A_20 : i32 to index
      %get3A_585 = arith.constant 640 : index
      %get3A_586 = tpu.vector_load %arg8[%get3A_584, %get3A_585] {strides = array<i32>} : memref<64x768xf32, #tpu.memory_space<vmem>>, vector<1x16xf32>,
      %get3A_587 = vector.shape_cast %get3A_586 : vector<1x16xf32> to vector<16xf32>
      %add3A_588 = arith.addf %get3A_583, %get3A_587 : vector<16xf32>
      %swap3A_589 = arith.index_cast %scan3A_20 : i32 to index
      %swap3A_590 = arith.constant 640 : index
      %swap3A_591 = tpu.vector_load %arg7[%swap3A_589, %swap3A_590] {strides = array<i32>} : memref<64x768xf32, #tpu.memory_space<vmem>>, vector<1x16xf32>,
      %swap3A_592 = vector.shape_cast %swap3A_591 : vector<1x16xf32> to vector<16xf32>
      %swap3A_593 = vector.shape_cast %add3A_588 : vector<16xf32> to vector<1x16xf32>
      tpu.vector_store %arg7[%swap3A_589, %swap3A_590], %swap3A_593 {strides = array<i32>} : memref<64x768xf32, #tpu.memory_space<vmem>>, vector<1x16xf32>,
      %get3A_594 = arith.index_cast %scan3A_20 : i32 to index
      %get3A_595 = arith.constant 656 : index
      %get3A_596 = tpu.vector_load %arg7[%get3A_594, %get3A_595] {strides = array<i32>} : memref<64x768xf32, #tpu.memory_space<vmem>>, vector<1x16xf32>,
      %get3A_597 = vector.shape_cast %get3A_596 : vector<1x16xf32> to vector<16xf32>
      %get3A_598 = arith.index_cast %scan3A_20 : i32 to index
      %get3A_599 = arith.constant 656 : index
      %get3A_600 = tpu.vector_load %arg8[%get3A_598, %get3A_599] {strides = array<i32>} : memref<64x768xf32, #tpu.memory_space<vmem>>, vector<1x16xf32>,
      %get3A_601 = vector.shape_cast %get3A_600 : vector<1x16xf32> to vector<16xf32>
      %add3A_602 = arith.addf %get3A_597, %get3A_601 : vector<16xf32>
      %swap3A_603 = arith.index_cast %scan3A_20 : i32 to index
      %swap3A_604 = arith.constant 656 : index
      %swap3A_605 = tpu.vector_load %arg7[%swap3A_603, %swap3A_604] {strides = array<i32>} : memref<64x768xf32, #tpu.memory_space<vmem>>, vector<1x16xf32>,
      %swap3A_606 = vector.shape_cast %swap3A_605 : vector<1x16xf32> to vector<16xf32>
      %swap3A_607 = vector.shape_cast %add3A_602 : vector<16xf32> to vector<1x16xf32>
      tpu.vector_store %arg7[%swap3A_603, %swap3A_604], %swap3A_607 {strides = array<i32>} : memref<64x768xf32, #tpu.memory_space<vmem>>, vector<1x16xf32>,
      %get3A_608 = arith.index_cast %scan3A_20 : i32 to index
      %get3A_609 = arith.constant 672 : index
      %get3A_610 = tpu.vector_load %arg7[%get3A_608, %get3A_609] {strides = array<i32>} : memref<64x768xf32, #tpu.memory_space<vmem>>, vector<1x16xf32>,
      %get3A_611 = vector.shape_cast %get3A_610 : vector<1x16xf32> to vector<16xf32>
      %get3A_612 = arith.index_cast %scan3A_20 : i32 to index
      %get3A_613 = arith.constant 672 : index
      %get3A_614 = tpu.vector_load %arg8[%get3A_612, %get3A_613] {strides = array<i32>} : memref<64x768xf32, #tpu.memory_space<vmem>>, vector<1x16xf32>,
      %get3A_615 = vector.shape_cast %get3A_614 : vector<1x16xf32> to vector<16xf32>
      %add3A_616 = arith.addf %get3A_611, %get3A_615 : vector<16xf32>
      %swap3A_617 = arith.index_cast %scan3A_20 : i32 to index
      %swap3A_618 = arith.constant 672 : index
      %swap3A_619 = tpu.vector_load %arg7[%swap3A_617, %swap3A_618] {strides = array<i32>} : memref<64x768xf32, #tpu.memory_space<vmem>>, vector<1x16xf32>,
      %swap3A_620 = vector.shape_cast %swap3A_619 : vector<1x16xf32> to vector<16xf32>
      %swap3A_621 = vector.shape_cast %add3A_616 : vector<16xf32> to vector<1x16xf32>
      tpu.vector_store %arg7[%swap3A_617, %swap3A_618], %swap3A_621 {strides = array<i32>} : memref<64x768xf32, #tpu.memory_space<vmem>>, vector<1x16xf32>,
      %get3A_622 = arith.index_cast %scan3A_20 : i32 to index
      %get3A_623 = arith.constant 688 : index
      %get3A_624 = tpu.vector_load %arg7[%get3A_622, %get3A_623] {strides = array<i32>} : memref<64x768xf32, #tpu.memory_space<vmem>>, vector<1x16xf32>,
      %get3A_625 = vector.shape_cast %get3A_624 : vector<1x16xf32> to vector<16xf32>
      %get3A_626 = arith.index_cast %scan3A_20 : i32 to index
      %get3A_627 = arith.constant 688 : index
      %get3A_628 = tpu.vector_load %arg8[%get3A_626, %get3A_627] {strides = array<i32>} : memref<64x768xf32, #tpu.memory_space<vmem>>, vector<1x16xf32>,
      %get3A_629 = vector.shape_cast %get3A_628 : vector<1x16xf32> to vector<16xf32>
      %add3A_630 = arith.addf %get3A_625, %get3A_629 : vector<16xf32>
      %swap3A_631 = arith.index_cast %scan3A_20 : i32 to index
      %swap3A_632 = arith.constant 688 : index
      %swap3A_633 = tpu.vector_load %arg7[%swap3A_631, %swap3A_632] {strides = array<i32>} : memref<64x768xf32, #tpu.memory_space<vmem>>, vector<1x16xf32>,
      %swap3A_634 = vector.shape_cast %swap3A_633 : vector<1x16xf32> to vector<16xf32>
      %swap3A_635 = vector.shape_cast %add3A_630 : vector<16xf32> to vector<1x16xf32>
      tpu.vector_store %arg7[%swap3A_631, %swap3A_632], %swap3A_635 {strides = array<i32>} : memref<64x768xf32, #tpu.memory_space<vmem>>, vector<1x16xf32>,
      %get3A_636 = arith.index_cast %scan3A_20 : i32 to index
      %get3A_637 = arith.constant 704 : index
      %get3A_638 = tpu.vector_load %arg7[%get3A_636, %get3A_637] {strides = array<i32>} : memref<64x768xf32, #tpu.memory_space<vmem>>, vector<1x16xf32>,
      %get3A_639 = vector.shape_cast %get3A_638 : vector<1x16xf32> to vector<16xf32>
      %get3A_640 = arith.index_cast %scan3A_20 : i32 to index
      %get3A_641 = arith.constant 704 : index
      %get3A_642 = tpu.vector_load %arg8[%get3A_640, %get3A_641] {strides = array<i32>} : memref<64x768xf32, #tpu.memory_space<vmem>>, vector<1x16xf32>,
      %get3A_643 = vector.shape_cast %get3A_642 : vector<1x16xf32> to vector<16xf32>
      %add3A_644 = arith.addf %get3A_639, %get3A_643 : vector<16xf32>
      %swap3A_645 = arith.index_cast %scan3A_20 : i32 to index
      %swap3A_646 = arith.constant 704 : index
      %swap3A_647 = tpu.vector_load %arg7[%swap3A_645, %swap3A_646] {strides = array<i32>} : memref<64x768xf32, #tpu.memory_space<vmem>>, vector<1x16xf32>,
      %swap3A_648 = vector.shape_cast %swap3A_647 : vector<1x16xf32> to vector<16xf32>
      %swap3A_649 = vector.shape_cast %add3A_644 : vector<16xf32> to vector<1x16xf32>
      tpu.vector_store %arg7[%swap3A_645, %swap3A_646], %swap3A_649 {strides = array<i32>} : memref<64x768xf32, #tpu.memory_space<vmem>>, vector<1x16xf32>,
      %get3A_650 = arith.index_cast %scan3A_20 : i32 to index
      %get3A_651 = arith.constant 720 : index
      %get3A_652 = tpu.vector_load %arg7[%get3A_650, %get3A_651] {strides = array<i32>} : memref<64x768xf32, #tpu.memory_space<vmem>>, vector<1x16xf32>,
      %get3A_653 = vector.shape_cast %get3A_652 : vector<1x16xf32> to vector<16xf32>
      %get3A_654 = arith.index_cast %scan3A_20 : i32 to index
      %get3A_655 = arith.constant 720 : index
      %get3A_656 = tpu.vector_load %arg8[%get3A_654, %get3A_655] {strides = array<i32>} : memref<64x768xf32, #tpu.memory_space<vmem>>, vector<1x16xf32>,
      %get3A_657 = vector.shape_cast %get3A_656 : vector<1x16xf32> to vector<16xf32>
      %add3A_658 = arith.addf %get3A_653, %get3A_657 : vector<16xf32>
      %swap3A_659 = arith.index_cast %scan3A_20 : i32 to index
      %swap3A_660 = arith.constant 720 : index
      %swap3A_661 = tpu.vector_load %arg7[%swap3A_659, %swap3A_660] {strides = array<i32>} : memref<64x768xf32, #tpu.memory_space<vmem>>, vector<1x16xf32>,
      %swap3A_662 = vector.shape_cast %swap3A_661 : vector<1x16xf32> to vector<16xf32>
      %swap3A_663 = vector.shape_cast %add3A_658 : vector<16xf32> to vector<1x16xf32>
      tpu.vector_store %arg7[%swap3A_659, %swap3A_660], %swap3A_663 {strides = array<i32>} : memref<64x768xf32, #tpu.memory_space<vmem>>, vector<1x16xf32>,
      %get3A_664 = arith.index_cast %scan3A_20 : i32 to index
      %get3A_665 = arith.constant 736 : index
      %get3A_666 = tpu.vector_load %arg7[%get3A_664, %get3A_665] {strides = array<i32>} : memref<64x768xf32, #tpu.memory_space<vmem>>, vector<1x16xf32>,
      %get3A_667 = vector.shape_cast %get3A_666 : vector<1x16xf32> to vector<16xf32>
      %get3A_668 = arith.index_cast %scan3A_20 : i32 to index
      %get3A_669 = arith.constant 736 : index
      %get3A_670 = tpu.vector_load %arg8[%get3A_668, %get3A_669] {strides = array<i32>} : memref<64x768xf32, #tpu.memory_space<vmem>>, vector<1x16xf32>,
      %get3A_671 = vector.shape_cast %get3A_670 : vector<1x16xf32> to vector<16xf32>
      %add3A_672 = arith.addf %get3A_667, %get3A_671 : vector<16xf32>
      %swap3A_673 = arith.index_cast %scan3A_20 : i32 to index
      %swap3A_674 = arith.constant 736 : index
      %swap3A_675 = tpu.vector_load %arg7[%swap3A_673, %swap3A_674] {strides = array<i32>} : memref<64x768xf32, #tpu.memory_space<vmem>>, vector<1x16xf32>,
      %swap3A_676 = vector.shape_cast %swap3A_675 : vector<1x16xf32> to vector<16xf32>
      %swap3A_677 = vector.shape_cast %add3A_672 : vector<16xf32> to vector<1x16xf32>
      tpu.vector_store %arg7[%swap3A_673, %swap3A_674], %swap3A_677 {strides = array<i32>} : memref<64x768xf32, #tpu.memory_space<vmem>>, vector<1x16xf32>,
      %get3A_678 = arith.index_cast %scan3A_20 : i32 to index
      %get3A_679 = arith.constant 752 : index
      %get3A_680 = tpu.vector_load %arg7[%get3A_678, %get3A_679] {strides = array<i32>} : memref<64x768xf32, #tpu.memory_space<vmem>>, vector<1x16xf32>,
      %get3A_681 = vector.shape_cast %get3A_680 : vector<1x16xf32> to vector<16xf32>
      %get3A_682 = arith.index_cast %scan3A_20 : i32 to index
      %get3A_683 = arith.constant 752 : index
      %get3A_684 = tpu.vector_load %arg8[%get3A_682, %get3A_683] {strides = array<i32>} : memref<64x768xf32, #tpu.memory_space<vmem>>, vector<1x16xf32>,
      %get3A_685 = vector.shape_cast %get3A_684 : vector<1x16xf32> to vector<16xf32>
      %add3A_686 = arith.addf %get3A_681, %get3A_685 : vector<16xf32>
      %swap3A_687 = arith.index_cast %scan3A_20 : i32 to index
      %swap3A_688 = arith.constant 752 : index
      %swap3A_689 = tpu.vector_load %arg7[%swap3A_687, %swap3A_688] {strides = array<i32>} : memref<64x768xf32, #tpu.memory_space<vmem>>, vector<1x16xf32>,
      %swap3A_690 = vector.shape_cast %swap3A_689 : vector<1x16xf32> to vector<16xf32>
      %swap3A_691 = vector.shape_cast %add3A_686 : vector<16xf32> to vector<1x16xf32>
      tpu.vector_store %arg7[%swap3A_687, %swap3A_688], %swap3A_691 {strides = array<i32>} : memref<64x768xf32, #tpu.memory_space<vmem>>, vector<1x16xf32>,
      %scan3A_692 = arith.constant 0 : i32
      scf.yield %scan3A_692 : i32
    }
    %scan3A_19 = arith.constant 64 : i32
    "tpu.region"() ({
      %run_scoped3A_20 = tpu.sem_alloc : memref<!tpu.dma_semaphore, #tpu.memory_space<semaphore_mem>>
      %dma_start3A_21 = arith.constant 0 : i32
      %dma_start3A_22 = tpu.memref_slice %arg4[%mul3A_2, %dma_start3A_21] : memref<2048x768xf32, #tpu.memory_space<hbm>> -> memref<64x768xf32, #tpu.memory_space<hbm>>
      %dma_start3A_23 = arith.constant 0 : i32
      %dma_start3A_24 = tpu.memref_slice %arg4[%mul3A_2, %dma_start3A_23] : memref<2048x768xf32, #tpu.memory_space<hbm>> -> memref<64x768xf32, #tpu.memory_space<hbm>>
      tpu.enqueue_dma source(%arg7 : memref<64x768xf32, #tpu.memory_space<vmem>>) target(%dma_start3A_24 : memref<64x768xf32, #tpu.memory_space<hbm>>) target_semaphore(%run_scoped3A_20 : memref<!tpu.dma_semaphore, #tpu.memory_space<semaphore_mem>>)
      %dma_wait3A_25 = arith.constant 0 : i32
      %dma_wait3A_26 = tpu.memref_slice %arg4[%mul3A_2, %dma_wait3A_25] : memref<2048x768xf32, #tpu.memory_space<hbm>> -> memref<64x768xf32, #tpu.memory_space<hbm>>
      %dma_wait3A_27 = arith.constant 0 : i32
      %dma_wait3A_28 = tpu.memref_slice %arg4[%mul3A_2, %dma_wait3A_27] : memref<2048x768xf32, #tpu.memory_space<hbm>> -> memref<64x768xf32, #tpu.memory_space<hbm>>
      tpu.wait_dma2 semaphore(%run_scoped3A_20 : memref<!tpu.dma_semaphore, #tpu.memory_space<semaphore_mem>>) src(%arg7 : memref<64x768xf32, #tpu.memory_space<vmem>>) dst(%dma_wait3A_28 : memref<64x768xf32, #tpu.memory_space<hbm>>)
      tpu.yield
    }) : () -> ()
    return
  }
}

#map = affine_map<(d0, d1) -> (0, 0)>
module attributes {stable_mosaic.version = 14 : i64} {
  func.func @_dispatch_body(%arg0: i32, %arg1: i32, %arg2: memref<2048x768xf32, #tpu.memory_space<hbm>>, %arg3: memref<8x2048xi32, #tpu.memory_space<hbm>>, %arg4: memref<2048x128xf32, #tpu.memory_space<hbm>>, %arg5: memref<2048x128xf32, #tpu.memory_space<hbm>>, %arg6: memref<8192x768xf32, #tpu.memory_space<hbm>>, %arg7: memref<8192x128xf32, #tpu.memory_space<hbm>>, %arg8: memref<64xi32, #tpu.memory_space<vmem>>, %arg9: memref<64xi32, #tpu.memory_space<vmem>>, %arg10: memref<64x768xf32, #tpu.memory_space<vmem>>, %arg11: memref<64x128xf32, #tpu.memory_space<vmem>>, %arg12: memref<64x128xf32, #tpu.memory_space<vmem>>, %arg13: memref<!tpu.dma_semaphore, #tpu.memory_space<semaphore_mem>>) attributes {dimension_semantics = [#tpu.dimension_semantics<core_parallel>, #tpu.dimension_semantics<subcore_parallel>], iteration_bounds = array<i64: 2, 16>, scalar_prefetch = 0 : i64, scratch_operands = 6 : i64, tpu.core_type = #tpu.core_type<sc_vector_subcore>, window_params = [{transform_indices = #map}, {transform_indices = #map}, {transform_indices = #map}, {transform_indices = #map}, {transform_indices = #map}, {transform_indices = #map}]} {
    %mul3A = arith.constant 2 : i32
    %mul3A_0 = arith.muli %arg1, %mul3A : i32
    %add3A = arith.addi %mul3A_0, %arg0 : i32
    %mul3A_1 = arith.constant 64 : i32
    %mul3A_2 = arith.muli %add3A, %mul3A_1 : i32
    %dma_start3A = arith.constant 0 : i32
    %dma_start3A_3 = tpu.memref_slice %arg3[%dma_start3A, %mul3A_2] : memref<8x2048xi32, #tpu.memory_space<hbm>> -> memref<1x64xi32, #tpu.memory_space<hbm>>
    %dma_start3A_4 = tpu.memref_squeeze %dma_start3A_3 : memref<1x64xi32, #tpu.memory_space<hbm>> -> memref<64xi32, #tpu.memory_space<hbm>>
    %dma_start3A_5 = tpu.memref_slice %arg3[%dma_start3A, %mul3A_2] : memref<8x2048xi32, #tpu.memory_space<hbm>> -> memref<1x64xi32, #tpu.memory_space<hbm>>
    %dma_start3A_6 = tpu.memref_squeeze %dma_start3A_5 : memref<1x64xi32, #tpu.memory_space<hbm>> -> memref<64xi32, #tpu.memory_space<hbm>>
    tpu.enqueue_dma source(%dma_start3A_6 : memref<64xi32, #tpu.memory_space<hbm>>) target(%arg8 : memref<64xi32, #tpu.memory_space<vmem>>) target_semaphore(%arg13 : memref<!tpu.dma_semaphore, #tpu.memory_space<semaphore_mem>>)
    %dma_start3A_7 = arith.constant 1 : i32
    %dma_start3A_8 = tpu.memref_slice %arg3[%dma_start3A_7, %mul3A_2] : memref<8x2048xi32, #tpu.memory_space<hbm>> -> memref<1x64xi32, #tpu.memory_space<hbm>>
    %dma_start3A_9 = tpu.memref_squeeze %dma_start3A_8 : memref<1x64xi32, #tpu.memory_space<hbm>> -> memref<64xi32, #tpu.memory_space<hbm>>
    %dma_start3A_10 = tpu.memref_slice %arg3[%dma_start3A_7, %mul3A_2] : memref<8x2048xi32, #tpu.memory_space<hbm>> -> memref<1x64xi32, #tpu.memory_space<hbm>>
    %dma_start3A_11 = tpu.memref_squeeze %dma_start3A_10 : memref<1x64xi32, #tpu.memory_space<hbm>> -> memref<64xi32, #tpu.memory_space<hbm>>
    tpu.enqueue_dma source(%dma_start3A_11 : memref<64xi32, #tpu.memory_space<hbm>>) target(%arg9 : memref<64xi32, #tpu.memory_space<vmem>>) target_semaphore(%arg13 : memref<!tpu.dma_semaphore, #tpu.memory_space<semaphore_mem>>)
    %dma_start3A_12 = arith.constant 0 : i32
    %dma_start3A_13 = tpu.memref_slice %arg2[%mul3A_2, %dma_start3A_12] : memref<2048x768xf32, #tpu.memory_space<hbm>> -> memref<64x768xf32, #tpu.memory_space<hbm>>
    %dma_start3A_14 = arith.constant 0 : i32
    %dma_start3A_15 = tpu.memref_slice %arg2[%mul3A_2, %dma_start3A_14] : memref<2048x768xf32, #tpu.memory_space<hbm>> -> memref<64x768xf32, #tpu.memory_space<hbm>>
    tpu.enqueue_dma source(%dma_start3A_15 : memref<64x768xf32, #tpu.memory_space<hbm>>) target(%arg10 : memref<64x768xf32, #tpu.memory_space<vmem>>) target_semaphore(%arg13 : memref<!tpu.dma_semaphore, #tpu.memory_space<semaphore_mem>>)
    %dma_start3A_16 = arith.constant 0 : i32
    %dma_start3A_17 = tpu.memref_slice %arg4[%mul3A_2, %dma_start3A_16] : memref<2048x128xf32, #tpu.memory_space<hbm>> -> memref<64x128xf32, #tpu.memory_space<hbm>>
    %dma_start3A_18 = arith.constant 0 : i32
    %dma_start3A_19 = tpu.memref_slice %arg4[%mul3A_2, %dma_start3A_18] : memref<2048x128xf32, #tpu.memory_space<hbm>> -> memref<64x128xf32, #tpu.memory_space<hbm>>
    tpu.enqueue_dma source(%dma_start3A_19 : memref<64x128xf32, #tpu.memory_space<hbm>>) target(%arg11 : memref<64x128xf32, #tpu.memory_space<vmem>>) target_semaphore(%arg13 : memref<!tpu.dma_semaphore, #tpu.memory_space<semaphore_mem>>)
    %dma_start3A_20 = arith.constant 0 : i32
    %dma_start3A_21 = tpu.memref_slice %arg5[%mul3A_2, %dma_start3A_20] : memref<2048x128xf32, #tpu.memory_space<hbm>> -> memref<64x128xf32, #tpu.memory_space<hbm>>
    %dma_start3A_22 = arith.constant 0 : i32
    %dma_start3A_23 = tpu.memref_slice %arg5[%mul3A_2, %dma_start3A_22] : memref<2048x128xf32, #tpu.memory_space<hbm>> -> memref<64x128xf32, #tpu.memory_space<hbm>>
    tpu.enqueue_dma source(%dma_start3A_23 : memref<64x128xf32, #tpu.memory_space<hbm>>) target(%arg12 : memref<64x128xf32, #tpu.memory_space<vmem>>) target_semaphore(%arg13 : memref<!tpu.dma_semaphore, #tpu.memory_space<semaphore_mem>>)
    %dma_wait3A = arith.constant 0 : i32
    %dma_wait3A_24 = tpu.memref_slice %arg3[%dma_wait3A, %mul3A_2] : memref<8x2048xi32, #tpu.memory_space<hbm>> -> memref<1x64xi32, #tpu.memory_space<hbm>>
    %dma_wait3A_25 = tpu.memref_squeeze %dma_wait3A_24 : memref<1x64xi32, #tpu.memory_space<hbm>> -> memref<64xi32, #tpu.memory_space<hbm>>
    %dma_wait3A_26 = tpu.memref_slice %arg3[%dma_wait3A, %mul3A_2] : memref<8x2048xi32, #tpu.memory_space<hbm>> -> memref<1x64xi32, #tpu.memory_space<hbm>>
    %dma_wait3A_27 = tpu.memref_squeeze %dma_wait3A_26 : memref<1x64xi32, #tpu.memory_space<hbm>> -> memref<64xi32, #tpu.memory_space<hbm>>
    tpu.wait_dma2 semaphore(%arg13 : memref<!tpu.dma_semaphore, #tpu.memory_space<semaphore_mem>>) src(%dma_wait3A_27 : memref<64xi32, #tpu.memory_space<hbm>>) dst(%arg8 : memref<64xi32, #tpu.memory_space<vmem>>)
    %dma_wait3A_28 = arith.constant 1 : i32
    %dma_wait3A_29 = tpu.memref_slice %arg3[%dma_wait3A_28, %mul3A_2] : memref<8x2048xi32, #tpu.memory_space<hbm>> -> memref<1x64xi32, #tpu.memory_space<hbm>>
    %dma_wait3A_30 = tpu.memref_squeeze %dma_wait3A_29 : memref<1x64xi32, #tpu.memory_space<hbm>> -> memref<64xi32, #tpu.memory_space<hbm>>
    %dma_wait3A_31 = tpu.memref_slice %arg3[%dma_wait3A_28, %mul3A_2] : memref<8x2048xi32, #tpu.memory_space<hbm>> -> memref<1x64xi32, #tpu.memory_space<hbm>>
    %dma_wait3A_32 = tpu.memref_squeeze %dma_wait3A_31 : memref<1x64xi32, #tpu.memory_space<hbm>> -> memref<64xi32, #tpu.memory_space<hbm>>
    tpu.wait_dma2 semaphore(%arg13 : memref<!tpu.dma_semaphore, #tpu.memory_space<semaphore_mem>>) src(%dma_wait3A_32 : memref<64xi32, #tpu.memory_space<hbm>>) dst(%arg9 : memref<64xi32, #tpu.memory_space<vmem>>)
    %dma_wait3A_33 = arith.constant 0 : i32
    %dma_wait3A_34 = tpu.memref_slice %arg2[%mul3A_2, %dma_wait3A_33] : memref<2048x768xf32, #tpu.memory_space<hbm>> -> memref<64x768xf32, #tpu.memory_space<hbm>>
    %dma_wait3A_35 = arith.constant 0 : i32
    %dma_wait3A_36 = tpu.memref_slice %arg2[%mul3A_2, %dma_wait3A_35] : memref<2048x768xf32, #tpu.memory_space<hbm>> -> memref<64x768xf32, #tpu.memory_space<hbm>>
    tpu.wait_dma2 semaphore(%arg13 : memref<!tpu.dma_semaphore, #tpu.memory_space<semaphore_mem>>) src(%dma_wait3A_36 : memref<64x768xf32, #tpu.memory_space<hbm>>) dst(%arg10 : memref<64x768xf32, #tpu.memory_space<vmem>>)
    %dma_wait3A_37 = arith.constant 0 : i32
    %dma_wait3A_38 = tpu.memref_slice %arg4[%mul3A_2, %dma_wait3A_37] : memref<2048x128xf32, #tpu.memory_space<hbm>> -> memref<64x128xf32, #tpu.memory_space<hbm>>
    %dma_wait3A_39 = arith.constant 0 : i32
    %dma_wait3A_40 = tpu.memref_slice %arg4[%mul3A_2, %dma_wait3A_39] : memref<2048x128xf32, #tpu.memory_space<hbm>> -> memref<64x128xf32, #tpu.memory_space<hbm>>
    tpu.wait_dma2 semaphore(%arg13 : memref<!tpu.dma_semaphore, #tpu.memory_space<semaphore_mem>>) src(%dma_wait3A_40 : memref<64x128xf32, #tpu.memory_space<hbm>>) dst(%arg11 : memref<64x128xf32, #tpu.memory_space<vmem>>)
    %dma_wait3A_41 = arith.constant 0 : i32
    %dma_wait3A_42 = tpu.memref_slice %arg5[%mul3A_2, %dma_wait3A_41] : memref<2048x128xf32, #tpu.memory_space<hbm>> -> memref<64x128xf32, #tpu.memory_space<hbm>>
    %dma_wait3A_43 = arith.constant 0 : i32
    %dma_wait3A_44 = tpu.memref_slice %arg5[%mul3A_2, %dma_wait3A_43] : memref<2048x128xf32, #tpu.memory_space<hbm>> -> memref<64x128xf32, #tpu.memory_space<hbm>>
    tpu.wait_dma2 semaphore(%arg13 : memref<!tpu.dma_semaphore, #tpu.memory_space<semaphore_mem>>) src(%dma_wait3A_44 : memref<64x128xf32, #tpu.memory_space<hbm>>) dst(%arg12 : memref<64x128xf32, #tpu.memory_space<vmem>>)
    %dma_start3A_45 = arith.constant 0 : i32
    %dma_start3A_46 = arith.constant 0 : i32
    %dma_start3A_47 = tpu.memref_slice %arg6[%dma_start3A_45, %dma_start3A_46] : memref<8192x768xf32, #tpu.memory_space<hbm>> -> memref<8192x768xf32, #tpu.memory_space<hbm>>
    tpu.enqueue_indirect_dma source(%arg10 : memref<64x768xf32, #tpu.memory_space<vmem>>) target(%dma_start3A_47 : memref<8192x768xf32, #tpu.memory_space<hbm>>) offsets(%arg8 : memref<64xi32, #tpu.memory_space<vmem>>) semaphore(%arg13 : memref<!tpu.dma_semaphore, #tpu.memory_space<semaphore_mem>>)
    %dma_start3A_48 = arith.constant 0 : i32
    %dma_start3A_49 = arith.constant 0 : i32
    %dma_start3A_50 = tpu.memref_slice %arg6[%dma_start3A_48, %dma_start3A_49] : memref<8192x768xf32, #tpu.memory_space<hbm>> -> memref<8192x768xf32, #tpu.memory_space<hbm>>
    tpu.enqueue_indirect_dma source(%arg10 : memref<64x768xf32, #tpu.memory_space<vmem>>) target(%dma_start3A_50 : memref<8192x768xf32, #tpu.memory_space<hbm>>) offsets(%arg9 : memref<64xi32, #tpu.memory_space<vmem>>) semaphore(%arg13 : memref<!tpu.dma_semaphore, #tpu.memory_space<semaphore_mem>>)
    %dma_start3A_51 = arith.constant 0 : i32
    %dma_start3A_52 = arith.constant 0 : i32
    %dma_start3A_53 = tpu.memref_slice %arg7[%dma_start3A_51, %dma_start3A_52] : memref<8192x128xf32, #tpu.memory_space<hbm>> -> memref<8192x128xf32, #tpu.memory_space<hbm>>
    tpu.enqueue_indirect_dma source(%arg11 : memref<64x128xf32, #tpu.memory_space<vmem>>) target(%dma_start3A_53 : memref<8192x128xf32, #tpu.memory_space<hbm>>) offsets(%arg8 : memref<64xi32, #tpu.memory_space<vmem>>) semaphore(%arg13 : memref<!tpu.dma_semaphore, #tpu.memory_space<semaphore_mem>>)
    %dma_start3A_54 = arith.constant 0 : i32
    %dma_start3A_55 = arith.constant 0 : i32
    %dma_start3A_56 = tpu.memref_slice %arg7[%dma_start3A_54, %dma_start3A_55] : memref<8192x128xf32, #tpu.memory_space<hbm>> -> memref<8192x128xf32, #tpu.memory_space<hbm>>
    tpu.enqueue_indirect_dma source(%arg12 : memref<64x128xf32, #tpu.memory_space<vmem>>) target(%dma_start3A_56 : memref<8192x128xf32, #tpu.memory_space<hbm>>) offsets(%arg9 : memref<64xi32, #tpu.memory_space<vmem>>) semaphore(%arg13 : memref<!tpu.dma_semaphore, #tpu.memory_space<semaphore_mem>>)
    %dma_wait3A_57 = arith.constant 0 : i32
    %dma_wait3A_58 = arith.constant 0 : i32
    %dma_wait3A_59 = tpu.memref_slice %arg6[%dma_wait3A_57, %dma_wait3A_58] : memref<8192x768xf32, #tpu.memory_space<hbm>> -> memref<8192x768xf32, #tpu.memory_space<hbm>>
    tpu.wait_indirect_dma semaphore(%arg13 : memref<!tpu.dma_semaphore, #tpu.memory_space<semaphore_mem>>) src(%arg10 : memref<64x768xf32, #tpu.memory_space<vmem>>) dst(%dma_wait3A_59 : memref<8192x768xf32, #tpu.memory_space<hbm>>)
    %dma_wait3A_60 = arith.constant 0 : i32
    %dma_wait3A_61 = arith.constant 0 : i32
    %dma_wait3A_62 = tpu.memref_slice %arg6[%dma_wait3A_60, %dma_wait3A_61] : memref<8192x768xf32, #tpu.memory_space<hbm>> -> memref<8192x768xf32, #tpu.memory_space<hbm>>
    tpu.wait_indirect_dma semaphore(%arg13 : memref<!tpu.dma_semaphore, #tpu.memory_space<semaphore_mem>>) src(%arg10 : memref<64x768xf32, #tpu.memory_space<vmem>>) dst(%dma_wait3A_62 : memref<8192x768xf32, #tpu.memory_space<hbm>>)
    %dma_wait3A_63 = arith.constant 0 : i32
    %dma_wait3A_64 = arith.constant 0 : i32
    %dma_wait3A_65 = tpu.memref_slice %arg7[%dma_wait3A_63, %dma_wait3A_64] : memref<8192x128xf32, #tpu.memory_space<hbm>> -> memref<8192x128xf32, #tpu.memory_space<hbm>>
    tpu.wait_indirect_dma semaphore(%arg13 : memref<!tpu.dma_semaphore, #tpu.memory_space<semaphore_mem>>) src(%arg11 : memref<64x128xf32, #tpu.memory_space<vmem>>) dst(%dma_wait3A_65 : memref<8192x128xf32, #tpu.memory_space<hbm>>)
    %dma_wait3A_66 = arith.constant 0 : i32
    %dma_wait3A_67 = arith.constant 0 : i32
    %dma_wait3A_68 = tpu.memref_slice %arg7[%dma_wait3A_66, %dma_wait3A_67] : memref<8192x128xf32, #tpu.memory_space<hbm>> -> memref<8192x128xf32, #tpu.memory_space<hbm>>
    tpu.wait_indirect_dma semaphore(%arg13 : memref<!tpu.dma_semaphore, #tpu.memory_space<semaphore_mem>>) src(%arg12 : memref<64x128xf32, #tpu.memory_space<vmem>>) dst(%dma_wait3A_68 : memref<8192x128xf32, #tpu.memory_space<hbm>>)
    return
  }
}

module attributes {stable_mosaic.version = 14 : i64} {
  func.func @_gmm_body(%arg0: i32, %arg1: memref<16xi32, #tpu.memory_space<smem>>, %arg2: memref<512x768xf32, #tpu.memory_space<vmem>>, %arg3: memref<512x128xf32, #tpu.memory_space<vmem>>, %arg4: memref<1x768x768xf32, #tpu.memory_space<vmem>>, %arg5: memref<1x768x768xf32, #tpu.memory_space<vmem>>, %arg6: memref<1x768x768xf32, #tpu.memory_space<vmem>>, %arg7: memref<512x768xf32, #tpu.memory_space<vmem>>) attributes {dimension_semantics = [#tpu.dimension_semantics<arbitrary>], iteration_bounds = array<i64: 16>, scalar_prefetch = 1 : i64, scratch_operands = 0 : i64, tpu.core_type = #tpu.core_type<tc>, window_params = [{transform_indices = @transform_0, window_bounds = array<i64: 512, 768>}, {transform_indices = @transform_1, window_bounds = array<i64: 512, 128>}, {transform_indices = @transform_2, window_bounds = array<i64: 1, 768, 768>}, {transform_indices = @transform_3, window_bounds = array<i64: 1, 768, 768>}, {transform_indices = @transform_4, window_bounds = array<i64: 1, 768, 768>}, {transform_indices = @transform_5, window_bounds = array<i64: 512, 768>}]} {
    %get3A = arith.constant 0 : index
    %get3A_0 = arith.constant 0 : index
    %get3A_1 = vector.load %arg2[%get3A, %get3A_0] : memref<512x768xf32, #tpu.memory_space<vmem>>, vector<512x768xf32>
    %convert_element_type3A = arith.truncf %get3A_1 : vector<512x768xf32> to vector<512x768xbf16>
    %get3A_2 = arith.constant 0 : index
    %get3A_3 = arith.constant 0 : index
    %get3A_4 = arith.constant 0 : index
    %get3A_5 = vector.load %arg4[%get3A_2, %get3A_3, %get3A_4] : memref<1x768x768xf32, #tpu.memory_space<vmem>>, vector<1x768x768xf32>
    %get3A_6 = vector.shape_cast %get3A_5 : vector<1x768x768xf32> to vector<768x768xf32>
    %convert_element_type3A_7 = arith.truncf %get3A_6 : vector<768x768xf32> to vector<768x768xbf16>
    %get3A_8 = arith.constant 0 : index
    %get3A_9 = arith.constant 0 : index
    %get3A_10 = arith.constant 0 : index
    %get3A_11 = vector.load %arg5[%get3A_8, %get3A_9, %get3A_10] : memref<1x768x768xf32, #tpu.memory_space<vmem>>, vector<1x768x768xf32>
    %get3A_12 = vector.shape_cast %get3A_11 : vector<1x768x768xf32> to vector<768x768xf32>
    %convert_element_type3A_13 = arith.truncf %get3A_12 : vector<768x768xf32> to vector<768x768xbf16>
    %get3A_14 = arith.constant 0 : index
    %get3A_15 = arith.constant 0 : index
    %get3A_16 = arith.constant 0 : index
    %get3A_17 = vector.load %arg6[%get3A_14, %get3A_15, %get3A_16] : memref<1x768x768xf32, #tpu.memory_space<vmem>>, vector<1x768x768xf32>
    %get3A_18 = vector.shape_cast %get3A_17 : vector<1x768x768xf32> to vector<768x768xf32>
    %convert_element_type3A_19 = arith.truncf %get3A_18 : vector<768x768xf32> to vector<768x768xbf16>
    %dot_general3A = arith.constant dense<0.000000e+00> : vector<512x768xf32>
    %dot_general3A_20 = tpu.matmul %convert_element_type3A, %convert_element_type3A_7, %dot_general3A {dimension_numbers = #tpu.dot_dimension_numbers<[1], [0], [0], [1], [0, 0, 1, 1], [], []>, transpose_lhs_hint = false} : vector<512x768xbf16>, vector<768x768xbf16>, vector<512x768xf32> -> vector<512x768xf32>
    %dot_general3A_21 = arith.constant dense<0.000000e+00> : vector<512x768xf32>
    %dot_general3A_22 = tpu.matmul %convert_element_type3A, %convert_element_type3A_13, %dot_general3A_21 {dimension_numbers = #tpu.dot_dimension_numbers<[1], [0], [0], [1], [0, 0, 1, 1], [], []>, transpose_lhs_hint = false} : vector<512x768xbf16>, vector<768x768xbf16>, vector<512x768xf32> -> vector<512x768xf32>
    %logistic3A = arith.negf %dot_general3A_20 : vector<512x768xf32>
    %logistic3A_23 = math.exp %logistic3A : vector<512x768xf32>
    %logistic3A_24 = arith.constant 1.000000e+00 : f32
    %logistic3A_25 = vector.broadcast %logistic3A_24 : f32 to vector<512x768xf32>
    %logistic3A_26 = arith.addf %logistic3A_25, %logistic3A_23 : vector<512x768xf32>
    %logistic3A_27 = arith.divf %logistic3A_25, %logistic3A_26 : vector<512x768xf32>
    %mul3A = arith.mulf %dot_general3A_20, %logistic3A_27 : vector<512x768xf32>
    %mul3A_28 = arith.mulf %mul3A, %dot_general3A_22 : vector<512x768xf32>
    %convert_element_type3A_29 = arith.truncf %mul3A_28 : vector<512x768xf32> to vector<512x768xbf16>
    %dot_general3A_30 = arith.constant dense<0.000000e+00> : vector<512x768xf32>
    %dot_general3A_31 = tpu.matmul %convert_element_type3A_29, %convert_element_type3A_19, %dot_general3A_30 {dimension_numbers = #tpu.dot_dimension_numbers<[1], [0], [0], [1], [0, 0, 1, 1], [], []>, transpose_lhs_hint = false} : vector<512x768xbf16>, vector<768x768xbf16>, vector<512x768xf32> -> vector<512x768xf32>
    %get3A_32 = arith.constant 0 : index
    %get3A_33 = arith.constant 0 : index
    %get3A_34 = vector.load %arg3[%get3A_32, %get3A_33] : memref<512x128xf32, #tpu.memory_space<vmem>>, vector<512x1xf32>
    %mul3A_35 = vector.broadcast %get3A_34 : vector<512x1xf32> to vector<512x768xf32>
    %mul3A_36 = arith.mulf %dot_general3A_31, %mul3A_35 : vector<512x768xf32>
    %swap3A = arith.constant 0 : index
    %swap3A_37 = arith.constant 0 : index
    %swap3A_38 = vector.load %arg7[%swap3A, %swap3A_37] : memref<512x768xf32, #tpu.memory_space<vmem>>, vector<512x768xf32>
    tpu.vector_store %arg7[%swap3A, %swap3A_37], %mul3A_36 {strides = array<i32>} : memref<512x768xf32, #tpu.memory_space<vmem>>, vector<512x768xf32>,
    return
  }
  func.func @transform_0(%arg0: i32, %arg1: memref<16xi32, #tpu.memory_space<smem>>) -> (i32, i32) {
    %c0_i32 = arith.constant 0 : i32
    %c0_i32_0 = arith.constant 0 : i32
    return %arg0, %c0_i32 : i32, i32
  }
  func.func @transform_1(%arg0: i32, %arg1: memref<16xi32, #tpu.memory_space<smem>>) -> (i32, i32) {
    %c0_i32 = arith.constant 0 : i32
    %c0_i32_0 = arith.constant 0 : i32
    return %arg0, %c0_i32 : i32, i32
  }
  func.func @transform_2(%arg0: i32, %arg1: memref<16xi32, #tpu.memory_space<smem>>) -> (i32, i32, i32) {
    %get3A = arith.index_cast %arg0 : i32 to index
    %get3A_0 = memref.load %arg1[%get3A] : memref<16xi32, #tpu.memory_space<smem>>
    %c0_i32 = arith.constant 0 : i32
    %c0_i32_1 = arith.constant 0 : i32
    %c0_i32_2 = arith.constant 0 : i32
    return %get3A_0, %c0_i32, %c0_i32_1 : i32, i32, i32
  }
  func.func @transform_3(%arg0: i32, %arg1: memref<16xi32, #tpu.memory_space<smem>>) -> (i32, i32, i32) {
    %get3A = arith.index_cast %arg0 : i32 to index
    %get3A_0 = memref.load %arg1[%get3A] : memref<16xi32, #tpu.memory_space<smem>>
    %c0_i32 = arith.constant 0 : i32
    %c0_i32_1 = arith.constant 0 : i32
    %c0_i32_2 = arith.constant 0 : i32
    return %get3A_0, %c0_i32, %c0_i32_1 : i32, i32, i32
  }
  func.func @transform_4(%arg0: i32, %arg1: memref<16xi32, #tpu.memory_space<smem>>) -> (i32, i32, i32) {
    %get3A = arith.index_cast %arg0 : i32 to index
    %get3A_0 = memref.load %arg1[%get3A] : memref<16xi32, #tpu.memory_space<smem>>
    %c0_i32 = arith.constant 0 : i32
    %c0_i32_1 = arith.constant 0 : i32
    %c0_i32_2 = arith.constant 0 : i32
    return %get3A_0, %c0_i32, %c0_i32_1 : i32, i32, i32
  }
  func.func @transform_5(%arg0: i32, %arg1: memref<16xi32, #tpu.memory_space<smem>>) -> (i32, i32) {
    %c0_i32 = arith.constant 0 : i32
    %c0_i32_0 = arith.constant 0 : i32
    return %arg0, %c0_i32 : i32, i32
  }
}

module attributes {stable_mosaic.version = 14 : i64} {
  func.func @_router_meta_body(%arg0: memref<2048x768xf32, #tpu.memory_space<vmem>>, %arg1: memref<768x8xf32, #tpu.memory_space<vmem>>, %arg2: memref<8x2048xi32, #tpu.memory_space<vmem>>, %arg3: memref<2048x128xf32, #tpu.memory_space<vmem>>, %arg4: memref<2048x128xf32, #tpu.memory_space<vmem>>, %arg5: memref<8x128xi32, #tpu.memory_space<vmem>>) attributes {dimension_semantics = [], scalar_prefetch = 0 : i64, scratch_operands = 0 : i64, tpu.core_type = #tpu.core_type<tc>} {
    %get3A = arith.constant 0 : index
    %get3A_0 = arith.constant 0 : index
    %get3A_1 = vector.load %arg0[%get3A, %get3A_0] : memref<2048x768xf32, #tpu.memory_space<vmem>>, vector<2048x768xf32>
    %get3A_2 = arith.constant 0 : index
    %get3A_3 = arith.constant 0 : index
    %get3A_4 = vector.load %arg1[%get3A_2, %get3A_3] : memref<768x8xf32, #tpu.memory_space<vmem>>, vector<768x8xf32>
    %dot_general3A = arith.constant dense<0.000000e+00> : vector<2048x8xf32>
    %dot_general3A_5 = tpu.matmul %get3A_1, %get3A_4, %dot_general3A {dimension_numbers = #tpu.dot_dimension_numbers<[1], [0], [0], [1], [0, 0, 1, 1], [], []>, transpose_lhs_hint = false} : vector<2048x768xf32>, vector<768x8xf32>, vector<2048x8xf32> -> vector<2048x8xf32>
    %reduce_max3A = arith.constant dense<0xFF800000> : vector<2048xf32>
    %reduce_max3A_6 = vector.multi_reduction <maximumf>, %dot_general3A_5, %reduce_max3A [1] : vector<2048x8xf32> to vector<2048xf32>
    %broadcast_in_dim3A = vector.shape_cast %reduce_max3A_6 : vector<2048xf32> to vector<2048x1xf32>
    %iota3A = tpu.iota {dimensions = array<i32: 1>} : vector<2048x8xi32>
    %eq3A = vector.broadcast %broadcast_in_dim3A : vector<2048x1xf32> to vector<2048x8xf32>
    %eq3A_7 = arith.cmpf oeq, %dot_general3A_5, %eq3A : vector<2048x8xf32>
    %jit3A = arith.constant 1073741824 : i32
    %broadcast_in_dim3A_8 = vector.broadcast %jit3A : i32 to vector<2048x8xi32>
    %select_n3A = arith.select %eq3A_7, %iota3A, %broadcast_in_dim3A_8 : vector<2048x8xi1>, vector<2048x8xi32>
    %reduce_min3A = arith.constant dense<2147483647> : vector<2048xi32>
    %reduce_min3A_9 = vector.multi_reduction <minsi>, %select_n3A, %reduce_min3A [1] : vector<2048x8xi32> to vector<2048xi32>
    %broadcast_in_dim3A_10 = vector.shape_cast %reduce_min3A_9 : vector<2048xi32> to vector<2048x1xi32>
    %eq3A_11 = vector.broadcast %broadcast_in_dim3A_10 : vector<2048x1xi32> to vector<2048x8xi32>
    %eq3A_12 = arith.cmpi eq, %iota3A, %eq3A_11 : vector<2048x8xi32>
    %jit3A_13 = arith.constant 0xFF800000 : f32
    %broadcast_in_dim3A_14 = vector.broadcast %jit3A_13 : f32 to vector<2048x8xf32>
    %select_n3A_15 = arith.select %eq3A_12, %broadcast_in_dim3A_14, %dot_general3A_5 : vector<2048x8xi1>, vector<2048x8xf32>
    %reduce_max3A_16 = arith.constant dense<0xFF800000> : vector<2048xf32>
    %reduce_max3A_17 = vector.multi_reduction <maximumf>, %select_n3A_15, %reduce_max3A_16 [1] : vector<2048x8xf32> to vector<2048xf32>
    %broadcast_in_dim3A_18 = vector.shape_cast %reduce_max3A_17 : vector<2048xf32> to vector<2048x1xf32>
    %eq3A_19 = vector.broadcast %broadcast_in_dim3A_18 : vector<2048x1xf32> to vector<2048x8xf32>
    %eq3A_20 = arith.cmpf oeq, %select_n3A_15, %eq3A_19 : vector<2048x8xf32>
    %jit3A_21 = arith.constant 1073741824 : i32
    %broadcast_in_dim3A_22 = vector.broadcast %jit3A_21 : i32 to vector<2048x8xi32>
    %select_n3A_23 = arith.select %eq3A_20, %iota3A, %broadcast_in_dim3A_22 : vector<2048x8xi1>, vector<2048x8xi32>
    %reduce_min3A_24 = arith.constant dense<2147483647> : vector<2048xi32>
    %reduce_min3A_25 = vector.multi_reduction <minsi>, %select_n3A_23, %reduce_min3A_24 [1] : vector<2048x8xi32> to vector<2048xi32>
    %broadcast_in_dim3A_26 = vector.shape_cast %reduce_min3A_25 : vector<2048xi32> to vector<2048x1xi32>
    %sub3A = arith.subf %broadcast_in_dim3A_18, %broadcast_in_dim3A : vector<2048x1xf32>
    %exp3A = math.exp %sub3A : vector<2048x1xf32>
    %add3A = arith.constant 1.000000e+00 : f32
    %add3A_27 = vector.broadcast %add3A : f32 to vector<2048x1xf32>
    %add3A_28 = arith.addf %add3A_27, %exp3A : vector<2048x1xf32>
    %div3A = arith.constant 1.000000e+00 : f32
    %div3A_29 = vector.broadcast %div3A : f32 to vector<2048x1xf32>
    %div3A_30 = arith.divf %div3A_29, %add3A_28 : vector<2048x1xf32>
    %sub3A_31 = arith.constant 1.000000e+00 : f32
    %sub3A_32 = vector.broadcast %sub3A_31 : f32 to vector<2048x1xf32>
    %sub3A_33 = arith.subf %sub3A_32, %div3A_30 : vector<2048x1xf32>
    %concatenate3A = tpu.concatenate %broadcast_in_dim3A_10, %broadcast_in_dim3A_26 in 1 : vector<2048x1xi32>, vector<2048x1xi32> -> vector<2048x2xi32>
    %convert_element_type3A = arith.sitofp %concatenate3A : vector<2048x2xi32> to vector<2048x2xf32>
    %transpose3A = tpu.transpose %convert_element_type3A, [1, 0] : vector<2048x2xf32> -> vector<2x2048xf32>
    %slice3A = vector.extract_strided_slice %transpose3A {offsets = [0, 0], sizes = [1, 2048], strides = [1, 1]} : vector<2x2048xf32> to vector<1x2048xf32>
    %slice3A_34 = vector.extract_strided_slice %transpose3A {offsets = [1, 0], sizes = [1, 2048], strides = [1, 1]} : vector<2x2048xf32> to vector<1x2048xf32>
    %iota3A_35 = tpu.iota {dimensions = array<i32: 0>} : vector<8x2048xi32>
    %convert_element_type3A_36 = arith.sitofp %iota3A_35 : vector<8x2048xi32> to vector<8x2048xf32>
    %eq3A_37 = vector.broadcast %slice3A : vector<1x2048xf32> to vector<8x2048xf32>
    %eq3A_38 = arith.cmpf oeq, %convert_element_type3A_36, %eq3A_37 : vector<8x2048xf32>
    %jit3A_39 = arith.constant 1.000000e+00 : f32
    %jit3A_40 = arith.constant 0.000000e+00 : f32
    %broadcast_in_dim3A_41 = vector.broadcast %jit3A_39 : f32 to vector<8x2048xf32>
    %broadcast_in_dim3A_42 = vector.broadcast %jit3A_40 : f32 to vector<8x2048xf32>
    %select_n3A_43 = arith.select %eq3A_38, %broadcast_in_dim3A_41, %broadcast_in_dim3A_42 : vector<8x2048xi1>, vector<8x2048xf32>
    %eq3A_44 = vector.broadcast %slice3A_34 : vector<1x2048xf32> to vector<8x2048xf32>
    %eq3A_45 = arith.cmpf oeq, %convert_element_type3A_36, %eq3A_44 : vector<8x2048xf32>
    %jit3A_46 = arith.constant 1.000000e+00 : f32
    %jit3A_47 = arith.constant 0.000000e+00 : f32
    %broadcast_in_dim3A_48 = vector.broadcast %jit3A_46 : f32 to vector<8x2048xf32>
    %broadcast_in_dim3A_49 = vector.broadcast %jit3A_47 : f32 to vector<8x2048xf32>
    %select_n3A_50 = arith.select %eq3A_45, %broadcast_in_dim3A_48, %broadcast_in_dim3A_49 : vector<8x2048xi1>, vector<8x2048xf32>
    %concatenate3A_51 = tpu.concatenate %select_n3A_43, %select_n3A_50 in 1 : vector<8x2048xf32>, vector<8x2048xf32> -> vector<8x4096xf32>
    %broadcast_in_dim3A_52 = arith.constant 0.000000e+00 : f32
    %broadcast_in_dim3A_53 = vector.broadcast %broadcast_in_dim3A_52 : f32 to vector<8x1xf32>
    %slice3A_54 = vector.extract_strided_slice %concatenate3A_51 {offsets = [0, 0], sizes = [8, 4095], strides = [1, 1]} : vector<8x4096xf32> to vector<8x4095xf32>
    %concatenate3A_55 = tpu.concatenate %broadcast_in_dim3A_53, %slice3A_54 in 1 : vector<8x1xf32>, vector<8x4095xf32> -> vector<8x4096xf32>
    %add3A_56 = arith.addf %concatenate3A_51, %concatenate3A_55 : vector<8x4096xf32>
    %broadcast_in_dim3A_57 = arith.constant 0.000000e+00 : f32
    %broadcast_in_dim3A_58 = vector.broadcast %broadcast_in_dim3A_57 : f32 to vector<8x2xf32>
    %slice3A_59 = vector.extract_strided_slice %add3A_56 {offsets = [0, 0], sizes = [8, 4094], strides = [1, 1]} : vector<8x4096xf32> to vector<8x4094xf32>
    %concatenate3A_60 = tpu.concatenate %broadcast_in_dim3A_58, %slice3A_59 in 1 : vector<8x2xf32>, vector<8x4094xf32> -> vector<8x4096xf32>
    %add3A_61 = arith.addf %add3A_56, %concatenate3A_60 : vector<8x4096xf32>
    %broadcast_in_dim3A_62 = arith.constant 0.000000e+00 : f32
    %broadcast_in_dim3A_63 = vector.broadcast %broadcast_in_dim3A_62 : f32 to vector<8x4xf32>
    %slice3A_64 = vector.extract_strided_slice %add3A_61 {offsets = [0, 0], sizes = [8, 4092], strides = [1, 1]} : vector<8x4096xf32> to vector<8x4092xf32>
    %concatenate3A_65 = tpu.concatenate %broadcast_in_dim3A_63, %slice3A_64 in 1 : vector<8x4xf32>, vector<8x4092xf32> -> vector<8x4096xf32>
    %add3A_66 = arith.addf %add3A_61, %concatenate3A_65 : vector<8x4096xf32>
    %broadcast_in_dim3A_67 = arith.constant 0.000000e+00 : f32
    %broadcast_in_dim3A_68 = vector.broadcast %broadcast_in_dim3A_67 : f32 to vector<8x8xf32>
    %slice3A_69 = vector.extract_strided_slice %add3A_66 {offsets = [0, 0], sizes = [8, 4088], strides = [1, 1]} : vector<8x4096xf32> to vector<8x4088xf32>
    %concatenate3A_70 = tpu.concatenate %broadcast_in_dim3A_68, %slice3A_69 in 1 : vector<8x8xf32>, vector<8x4088xf32> -> vector<8x4096xf32>
    %add3A_71 = arith.addf %add3A_66, %concatenate3A_70 : vector<8x4096xf32>
    %broadcast_in_dim3A_72 = arith.constant 0.000000e+00 : f32
    %broadcast_in_dim3A_73 = vector.broadcast %broadcast_in_dim3A_72 : f32 to vector<8x16xf32>
    %slice3A_74 = vector.extract_strided_slice %add3A_71 {offsets = [0, 0], sizes = [8, 4080], strides = [1, 1]} : vector<8x4096xf32> to vector<8x4080xf32>
    %concatenate3A_75 = tpu.concatenate %broadcast_in_dim3A_73, %slice3A_74 in 1 : vector<8x16xf32>, vector<8x4080xf32> -> vector<8x4096xf32>
    %add3A_76 = arith.addf %add3A_71, %concatenate3A_75 : vector<8x4096xf32>
    %broadcast_in_dim3A_77 = arith.constant 0.000000e+00 : f32
    %broadcast_in_dim3A_78 = vector.broadcast %broadcast_in_dim3A_77 : f32 to vector<8x32xf32>
    %slice3A_79 = vector.extract_strided_slice %add3A_76 {offsets = [0, 0], sizes = [8, 4064], strides = [1, 1]} : vector<8x4096xf32> to vector<8x4064xf32>
    %concatenate3A_80 = tpu.concatenate %broadcast_in_dim3A_78, %slice3A_79 in 1 : vector<8x32xf32>, vector<8x4064xf32> -> vector<8x4096xf32>
    %add3A_81 = arith.addf %add3A_76, %concatenate3A_80 : vector<8x4096xf32>
    %broadcast_in_dim3A_82 = arith.constant 0.000000e+00 : f32
    %broadcast_in_dim3A_83 = vector.broadcast %broadcast_in_dim3A_82 : f32 to vector<8x64xf32>
    %slice3A_84 = vector.extract_strided_slice %add3A_81 {offsets = [0, 0], sizes = [8, 4032], strides = [1, 1]} : vector<8x4096xf32> to vector<8x4032xf32>
    %concatenate3A_85 = tpu.concatenate %broadcast_in_dim3A_83, %slice3A_84 in 1 : vector<8x64xf32>, vector<8x4032xf32> -> vector<8x4096xf32>
    %add3A_86 = arith.addf %add3A_81, %concatenate3A_85 : vector<8x4096xf32>
    %broadcast_in_dim3A_87 = arith.constant 0.000000e+00 : f32
    %broadcast_in_dim3A_88 = vector.broadcast %broadcast_in_dim3A_87 : f32 to vector<8x128xf32>
    %slice3A_89 = vector.extract_strided_slice %add3A_86 {offsets = [0, 0], sizes = [8, 3968], strides = [1, 1]} : vector<8x4096xf32> to vector<8x3968xf32>
    %concatenate3A_90 = tpu.concatenate %broadcast_in_dim3A_88, %slice3A_89 in 1 : vector<8x128xf32>, vector<8x3968xf32> -> vector<8x4096xf32>
    %add3A_91 = arith.addf %add3A_86, %concatenate3A_90 : vector<8x4096xf32>
    %broadcast_in_dim3A_92 = arith.constant 0.000000e+00 : f32
    %broadcast_in_dim3A_93 = vector.broadcast %broadcast_in_dim3A_92 : f32 to vector<8x256xf32>
    %slice3A_94 = vector.extract_strided_slice %add3A_91 {offsets = [0, 0], sizes = [8, 3840], strides = [1, 1]} : vector<8x4096xf32> to vector<8x3840xf32>
    %concatenate3A_95 = tpu.concatenate %broadcast_in_dim3A_93, %slice3A_94 in 1 : vector<8x256xf32>, vector<8x3840xf32> -> vector<8x4096xf32>
    %add3A_96 = arith.addf %add3A_91, %concatenate3A_95 : vector<8x4096xf32>
    %broadcast_in_dim3A_97 = arith.constant 0.000000e+00 : f32
    %broadcast_in_dim3A_98 = vector.broadcast %broadcast_in_dim3A_97 : f32 to vector<8x512xf32>
    %slice3A_99 = vector.extract_strided_slice %add3A_96 {offsets = [0, 0], sizes = [8, 3584], strides = [1, 1]} : vector<8x4096xf32> to vector<8x3584xf32>
    %concatenate3A_100 = tpu.concatenate %broadcast_in_dim3A_98, %slice3A_99 in 1 : vector<8x512xf32>, vector<8x3584xf32> -> vector<8x4096xf32>
    %add3A_101 = arith.addf %add3A_96, %concatenate3A_100 : vector<8x4096xf32>
    %broadcast_in_dim3A_102 = arith.constant 0.000000e+00 : f32
    %broadcast_in_dim3A_103 = vector.broadcast %broadcast_in_dim3A_102 : f32 to vector<8x1024xf32>
    %slice3A_104 = vector.extract_strided_slice %add3A_101 {offsets = [0, 0], sizes = [8, 3072], strides = [1, 1]} : vector<8x4096xf32> to vector<8x3072xf32>
    %concatenate3A_105 = tpu.concatenate %broadcast_in_dim3A_103, %slice3A_104 in 1 : vector<8x1024xf32>, vector<8x3072xf32> -> vector<8x4096xf32>
    %add3A_106 = arith.addf %add3A_101, %concatenate3A_105 : vector<8x4096xf32>
    %broadcast_in_dim3A_107 = arith.constant 0.000000e+00 : f32
    %broadcast_in_dim3A_108 = vector.broadcast %broadcast_in_dim3A_107 : f32 to vector<8x2048xf32>
    %slice3A_109 = vector.extract_strided_slice %add3A_106 {offsets = [0, 0], sizes = [8, 2048], strides = [1, 1]} : vector<8x4096xf32> to vector<8x2048xf32>
    %concatenate3A_110 = tpu.concatenate %broadcast_in_dim3A_108, %slice3A_109 in 1 : vector<8x2048xf32>, vector<8x2048xf32> -> vector<8x4096xf32>
    %add3A_111 = arith.addf %add3A_106, %concatenate3A_110 : vector<8x4096xf32>
    %slice3A_112 = vector.extract_strided_slice %add3A_111 {offsets = [0, 0], sizes = [8, 2048], strides = [1, 1]} : vector<8x4096xf32> to vector<8x2048xf32>
    %slice3A_113 = vector.extract_strided_slice %add3A_111 {offsets = [0, 2048], sizes = [8, 2048], strides = [1, 1]} : vector<8x4096xf32> to vector<8x2048xf32>
    %mul3A = arith.mulf %slice3A_112, %select_n3A_43 : vector<8x2048xf32>
    %reduce_sum3A = arith.constant dense<0.000000e+00> : vector<2048xf32>
    %reduce_sum3A_114 = vector.multi_reduction <add>, %mul3A, %reduce_sum3A [0] : vector<8x2048xf32> to vector<2048xf32>
    %broadcast_in_dim3A_115 = vector.shape_cast %reduce_sum3A_114 : vector<2048xf32> to vector<1x2048xf32>
    %sub3A_116 = arith.constant 1.000000e+00 : f32
    %sub3A_117 = vector.broadcast %sub3A_116 : f32 to vector<1x2048xf32>
    %sub3A_118 = arith.subf %broadcast_in_dim3A_115, %sub3A_117 : vector<1x2048xf32>
    %mul3A_119 = arith.mulf %slice3A_113, %select_n3A_50 : vector<8x2048xf32>
    %reduce_sum3A_120 = arith.constant dense<0.000000e+00> : vector<2048xf32>
    %reduce_sum3A_121 = vector.multi_reduction <add>, %mul3A_119, %reduce_sum3A_120 [0] : vector<8x2048xf32> to vector<2048xf32>
    %broadcast_in_dim3A_122 = vector.shape_cast %reduce_sum3A_121 : vector<2048xf32> to vector<1x2048xf32>
    %sub3A_123 = arith.constant 1.000000e+00 : f32
    %sub3A_124 = vector.broadcast %sub3A_123 : f32 to vector<1x2048xf32>
    %sub3A_125 = arith.subf %broadcast_in_dim3A_122, %sub3A_124 : vector<1x2048xf32>
    %slice3A_126 = vector.extract_strided_slice %add3A_111 {offsets = [0, 4095], sizes = [8, 1], strides = [1, 1]} : vector<8x4096xf32> to vector<8x1xf32>
    %add3A_127 = arith.constant 5.110000e+02 : f32
    %add3A_128 = vector.broadcast %add3A_127 : f32 to vector<8x1xf32>
    %add3A_129 = arith.addf %slice3A_126, %add3A_128 : vector<8x1xf32>
    %div3A_130 = arith.constant 5.120000e+02 : f32
    %div3A_131 = vector.broadcast %div3A_130 : f32 to vector<8x1xf32>
    %div3A_132 = arith.divf %add3A_129, %div3A_131 : vector<8x1xf32>
    %floor3A = math.floor %div3A_132 : vector<8x1xf32>
    %mul3A_133 = arith.constant 5.120000e+02 : f32
    %mul3A_134 = vector.broadcast %mul3A_133 : f32 to vector<8x1xf32>
    %mul3A_135 = arith.mulf %floor3A, %mul3A_134 : vector<8x1xf32>
    %iota3A_136 = tpu.iota {dimensions = array<i32: 0>} : vector<8x8xi32>
    %iota3A_137 = tpu.iota {dimensions = array<i32: 1>} : vector<8x8xi32>
    %eq3A_138 = arith.cmpi eq, %iota3A_136, %iota3A_137 : vector<8x8xi32>
    %jit3A_139 = arith.constant 0.000000e+00 : f32
    %broadcast_in_dim3A_140 = vector.shape_cast %mul3A_135 : vector<8x1xf32> to vector<8x1xf32>
    %broadcast_in_dim3A_141 = vector.broadcast %broadcast_in_dim3A_140 : vector<8x1xf32> to vector<8x8xf32>
    %broadcast_in_dim3A_142 = vector.broadcast %jit3A_139 : f32 to vector<8x8xf32>
    %select_n3A_143 = arith.select %eq3A_138, %broadcast_in_dim3A_141, %broadcast_in_dim3A_142 : vector<8x8xi1>, vector<8x8xf32>
    %reduce_sum3A_144 = arith.constant dense<0.000000e+00> : vector<8xf32>
    %reduce_sum3A_145 = vector.multi_reduction <add>, %select_n3A_143, %reduce_sum3A_144 [0] : vector<8x8xf32> to vector<8xf32>
    %broadcast_in_dim3A_146 = vector.shape_cast %reduce_sum3A_145 : vector<8xf32> to vector<1x8xf32>
    %lt3A = arith.cmpi slt, %iota3A_137, %iota3A_136 : vector<8x8xi32>
    %jit3A_147 = arith.constant 0.000000e+00 : f32
    %broadcast_in_dim3A_148 = vector.shape_cast %broadcast_in_dim3A_146 : vector<1x8xf32> to vector<1x8xf32>
    %broadcast_in_dim3A_149 = vector.broadcast %broadcast_in_dim3A_148 : vector<1x8xf32> to vector<8x8xf32>
    %broadcast_in_dim3A_150 = vector.broadcast %jit3A_147 : f32 to vector<8x8xf32>
    %select_n3A_151 = arith.select %lt3A, %broadcast_in_dim3A_149, %broadcast_in_dim3A_150 : vector<8x8xi1>, vector<8x8xf32>
    %reduce_sum3A_152 = arith.constant dense<0.000000e+00> : vector<8xf32>
    %reduce_sum3A_153 = vector.multi_reduction <add>, %select_n3A_151, %reduce_sum3A_152 [1] : vector<8x8xf32> to vector<8xf32>
    %broadcast_in_dim3A_154 = vector.shape_cast %reduce_sum3A_153 : vector<8xf32> to vector<8x1xf32>
    %add3A_155 = arith.addf %broadcast_in_dim3A_154, %mul3A_135 : vector<8x1xf32>
    %mul3A_156 = vector.broadcast %broadcast_in_dim3A_154 : vector<8x1xf32> to vector<8x2048xf32>
    %mul3A_157 = arith.mulf %select_n3A_43, %mul3A_156 : vector<8x2048xf32>
    %reduce_sum3A_158 = arith.constant dense<0.000000e+00> : vector<2048xf32>
    %reduce_sum3A_159 = vector.multi_reduction <add>, %mul3A_157, %reduce_sum3A_158 [0] : vector<8x2048xf32> to vector<2048xf32>
    %broadcast_in_dim3A_160 = vector.shape_cast %reduce_sum3A_159 : vector<2048xf32> to vector<1x2048xf32>
    %add3A_161 = arith.addf %broadcast_in_dim3A_160, %sub3A_118 : vector<1x2048xf32>
    %mul3A_162 = vector.broadcast %broadcast_in_dim3A_154 : vector<8x1xf32> to vector<8x2048xf32>
    %mul3A_163 = arith.mulf %select_n3A_50, %mul3A_162 : vector<8x2048xf32>
    %reduce_sum3A_164 = arith.constant dense<0.000000e+00> : vector<2048xf32>
    %reduce_sum3A_165 = vector.multi_reduction <add>, %mul3A_163, %reduce_sum3A_164 [0] : vector<8x2048xf32> to vector<2048xf32>
    %broadcast_in_dim3A_166 = vector.shape_cast %reduce_sum3A_165 : vector<2048xf32> to vector<1x2048xf32>
    %add3A_167 = arith.addf %broadcast_in_dim3A_166, %sub3A_125 : vector<1x2048xf32>
    %broadcast_in_dim3A_168 = arith.constant 0.000000e+00 : f32
    %broadcast_in_dim3A_169 = vector.broadcast %broadcast_in_dim3A_168 : f32 to vector<6x2048xf32>
    %concatenate3A_170 = tpu.concatenate %add3A_161, %add3A_167, %broadcast_in_dim3A_169 in 0 : vector<1x2048xf32>, vector<1x2048xf32>, vector<6x2048xf32> -> vector<8x2048xf32>
    %convert_element_type3A_171 = arith.fptosi %concatenate3A_170 : vector<8x2048xf32> to vector<8x2048xi32>
    %swap3A = arith.constant 0 : index
    %swap3A_172 = arith.constant 0 : index
    %swap3A_173 = vector.load %arg2[%swap3A, %swap3A_172] : memref<8x2048xi32, #tpu.memory_space<vmem>>, vector<8x2048xi32>
    tpu.vector_store %arg2[%swap3A, %swap3A_172], %convert_element_type3A_171 {strides = array<i32>} : memref<8x2048xi32, #tpu.memory_space<vmem>>, vector<8x2048xi32>,
    %broadcast_in_dim3A_174 = vector.shape_cast %div3A_30 : vector<2048x1xf32> to vector<2048x1xf32>
    %broadcast_in_dim3A_175 = vector.broadcast %broadcast_in_dim3A_174 : vector<2048x1xf32> to vector<2048x128xf32>
    %swap3A_176 = arith.constant 0 : index
    %swap3A_177 = arith.constant 0 : index
    %swap3A_178 = vector.load %arg3[%swap3A_176, %swap3A_177] : memref<2048x128xf32, #tpu.memory_space<vmem>>, vector<2048x128xf32>
    tpu.vector_store %arg3[%swap3A_176, %swap3A_177], %broadcast_in_dim3A_175 {strides = array<i32>} : memref<2048x128xf32, #tpu.memory_space<vmem>>, vector<2048x128xf32>,
    %broadcast_in_dim3A_179 = vector.shape_cast %sub3A_33 : vector<2048x1xf32> to vector<2048x1xf32>
    %broadcast_in_dim3A_180 = vector.broadcast %broadcast_in_dim3A_179 : vector<2048x1xf32> to vector<2048x128xf32>
    %swap3A_181 = arith.constant 0 : index
    %swap3A_182 = arith.constant 0 : index
    %swap3A_183 = vector.load %arg4[%swap3A_181, %swap3A_182] : memref<2048x128xf32, #tpu.memory_space<vmem>>, vector<2048x128xf32>
    tpu.vector_store %arg4[%swap3A_181, %swap3A_182], %broadcast_in_dim3A_180 {strides = array<i32>} : memref<2048x128xf32, #tpu.memory_space<vmem>>, vector<2048x128xf32>,
    %iota3A_184 = tpu.iota {dimensions = array<i32: 1>} : vector<8x128xi32>
    %convert_element_type3A_185 = arith.sitofp %iota3A_184 : vector<8x128xi32> to vector<8x128xf32>
    %mul3A_186 = arith.constant 5.120000e+02 : f32
    %mul3A_187 = vector.broadcast %mul3A_186 : f32 to vector<8x128xf32>
    %mul3A_188 = arith.mulf %convert_element_type3A_185, %mul3A_187 : vector<8x128xf32>
    %ge3A = vector.broadcast %add3A_155 : vector<8x1xf32> to vector<8x128xf32>
    %ge3A_189 = arith.cmpf oge, %mul3A_188, %ge3A : vector<8x128xf32>
    %jit3A_190 = arith.constant 1.000000e+00 : f32
    %jit3A_191 = arith.constant 0.000000e+00 : f32
    %broadcast_in_dim3A_192 = vector.broadcast %jit3A_190 : f32 to vector<8x128xf32>
    %broadcast_in_dim3A_193 = vector.broadcast %jit3A_191 : f32 to vector<8x128xf32>
    %select_n3A_194 = arith.select %ge3A_189, %broadcast_in_dim3A_192, %broadcast_in_dim3A_193 : vector<8x128xi1>, vector<8x128xf32>
    %reduce_sum3A_195 = arith.constant dense<0.000000e+00> : vector<128xf32>
    %reduce_sum3A_196 = vector.multi_reduction <add>, %select_n3A_194, %reduce_sum3A_195 [0] : vector<8x128xf32> to vector<128xf32>
    %broadcast_in_dim3A_197 = vector.shape_cast %reduce_sum3A_196 : vector<128xf32> to vector<1x128xf32>
    %min3A = arith.constant 7.000000e+00 : f32
    %min3A_198 = vector.broadcast %min3A : f32 to vector<1x128xf32>
    %min3A_199 = arith.minimumf %broadcast_in_dim3A_197, %min3A_198 : vector<1x128xf32>
    %broadcast_in_dim3A_200 = vector.shape_cast %min3A_199 : vector<1x128xf32> to vector<1x128xf32>
    %broadcast_in_dim3A_201 = vector.broadcast %broadcast_in_dim3A_200 : vector<1x128xf32> to vector<8x128xf32>
    %convert_element_type3A_202 = arith.fptosi %broadcast_in_dim3A_201 : vector<8x128xf32> to vector<8x128xi32>
    %swap3A_203 = arith.constant 0 : index
    %swap3A_204 = arith.constant 0 : index
    %swap3A_205 = vector.load %arg5[%swap3A_203, %swap3A_204] : memref<8x128xi32, #tpu.memory_space<vmem>>, vector<8x128xi32>
    tpu.vector_store %arg5[%swap3A_203, %swap3A_204], %convert_element_type3A_202 {strides = array<i32>} : memref<8x128xi32, #tpu.memory_space<vmem>>, vector<8x128xi32>,
    return
  }
}

</mosaic_0001>

<sc_bundles>
// kernel: kernel.6.cloned.1.call-start
scs
__scs_entry_jumppad:
0x0: {  	(pc) =	sbr.rel $0x88, $3  }
0x1: {  	(tag) =	ssettag $0x0;
	lr =	simm.s32 $0x1  }
0x2: {  	[smem:$0x3F9C] =	sst lr;
	_ =	strace $0xD0000000  }
0x3: {  	_ = 	snop  }
0x4: {  	_ = 	snop  }
0x5: {  	_ = 	snop  }
0x6: {  	_ = 	snop  }
0x7: {  	_ = 	snop  }
__scs_overlays_trampoline_lowered:
0x8: {  	[smem:$0x3FAB] =	sst s0  }
0x9: {  	[smem:$0x3FAC] =	sst s1  }
0xa: {  	[smem:$0x3FAD] =	sst s2  }
0xb: {  	[smem:$0x3FAE] =	sst s3  }
0xc: {  	[smem:$0x3FAF] =	sst s4  }
0xd: {  	[smem:$0x3FB0] =	sst s5  }
0xe: {  	[smem:$0x3FB1] =	sst s6  }
0xf: {  	[smem:$0x3FB2] =	sst s7  }
0x10: {  	[smem:$0x3FB3] =	sst s8  }
0x11: {  	[smem:$0x3FB4] =	sst s9;
	s0 =	simm.s32 @!p0 $0x0  }
0x12: {  	s1 =	sld [smem:$0x3F9A];
	s0 =	simm.s32 @p0 $0x1  }
0x13: {  	[smem:$0x3FB5] =	sst s0;
	s0 =	simm.s32 @!p1 $0x0  }
0x14: {  	s2 =	sld [smem:$0x3F99];
	s0 =	simm.s32 @p1 $0x1  }
0x15: {  	[smem:$0x3FB6] =	sst s0;
	s0 =	simm.s32 @!p2 $0x0  }
0x16: {  	s3 =	sld [smem:$0x3FDB];
	s0 =	simm.s32 @p2 $0x1  }
0x17: {  	s4 =	simm.s32 $0x1BF5;
	[smem:$0x3FB8] =	sst s0  }
0x18: {  	s0 =	sld [smem:$0x3F9B];
	_ =	swait.ge [sflag:s4], $0x0  }
0x19: {  	s7 =	sld [smem:$0x3F9C]  }
0x1a: {  	s8 =	sadd.s32 $0xFFFFE003, lr  }
0x1b: {  	s9 =	sadd.s32 $0xFFFFFEF7, lr;
	s5 =	simm.s32 $0xFFFFFFFF;
	p2 =	slt.u32 s8, $0xFFFFF086  }
0x1c: {  	p1 =	slt.u32 s9, $0xF7A;
	s5 =	simm.s32 @!p2 $0x0  }
0x1d: {  	s5 =	simm.s32 @p1 $0x1;
	p0 =	seq.s32 s7, s2  }
0x1e: {  	s7 =	smul.u32 @!p0 $0xF7A, s2;
	p2 =	seq.s32 @!p0 s5, $0x0  }
0x1f: {  	s9 =	smul.u32 $0xF7A, s1;
	s8 =	simm.s32 @!p0 $0x1BF5;
	p2 =	por !p2, p0  }
0x20: {  	[sflag:s8] =	ssyncset.s32 @!p0 $0xFFFFF086;
	s6 =	sadd.s32 @!p0 s3, s7;
	s7 =	simm.s32 @!p0 $0x108  }
0x21: {  	s3 =	sadd.s32 s3, s9;
	s6 =	sadd.s32 @!p0 $0x88, s6;
	s7 =	simm.s32 @p2 $0x1082  }
0x22: {  	[simem:s7], [sflag:s8] =	dma.local @!p0 [hbm:s6], $0xF7A  }
0x23: {  	s9 =	sor.u32 $0xD0000000, s2;
	s6 =	simm.s32 $0x108;
	_ =	swait.ge @!p0 [sflag:s8], $0x0  }
0x24: {  	s3 =	sadd.s32 $0x88, s3;
	s6 =	simm.s32 @!p1 $0x1082;
	[sflag:s4] =	ssyncset.s32 $0xFFFFF086  }
0x25: {  	[simem:s6], [sflag:s4] =	dma.local [hbm:s3], $0xF7A  }
0x26: {  	[smem:$0x3F9C] =	sst s1;
	(tag) =	ssettag s2;
	_ =	strace s9  }
0x27: {  	s1 =	sld [smem:$0x3FAC]  }
0x28: {  	s2 =	sld [smem:$0x3FAD]  }
0x29: {  	s4 =	sld [smem:$0x3FAF]  }
0x2a: {  	p0 =	seq.s32 s5, $0x0;
	s5 =	sld [smem:$0x3FB0]  }
0x2b: {  	s6 =	sld [smem:$0x3FB1]  }
0x2c: {  	s7 =	sld [smem:$0x3FB2]  }
0x2d: {  	s3 =	simm.s32 $0x108;
	s8 =	sld [smem:$0x3FB3]  }
0x2e: {  	s3 =	simm.s32 @!p0 $0x1082;
	s9 =	sld [smem:$0x3FB4]  }
0x2f: {  	lr =	sadd.s32 s0, s3;
	s0 =	sld [smem:$0x3FAB]  }
0x30: {  	s3 =	sld [smem:$0x3FAE]  }
0x31: {  	[smem:$0x3FB7] =	sst s10  }
0x32: {  	s10 =	sld [smem:$0x3FB5];
	_ =	sdelay $0x3  }
0x33: {  	p0 =	seq.s32 s10, $0x1;
	s10 =	sld [smem:$0x3FB7];
	_ =	sdelay $0x3  }
0x34: {  	[smem:$0x3FB7] =	sst s10  }
0x35: {  	s10 =	sld [smem:$0x3FB6];
	_ =	sdelay $0x3  }
0x36: {  	p1 =	seq.s32 s10, $0x1;
	s10 =	sld [smem:$0x3FB7];
	_ =	sdelay $0x3  }
0x37: {  	[smem:$0x3FB7] =	sst s10  }
0x38: {  	s10 =	sld [smem:$0x3FB8]  }
0x39: {  	_ = 	snop;
	(pc) =	sbr.ind lr, $3  }
0x3a: {  	_ = 	snop  }
0x3b: {  	_ = 	snop  }
0x3c: {  	p2 =	seq.s32 s10, $0x1;
	s10 =	sld [smem:$0x3FB7]  }
0x3d: {  	_ =	shalt  }
0x3e: {  	_ =	shalt  }
0x3f: {  	_ =	shalt  }
0x40: {  	_ =	shalt  }
0x41: {  	_ =	shalt  }
0x42: {  	_ =	shalt  }
0x43: {  	_ =	shalt  }
0x44: {  	_ =	shalt  }
0x45: {  	_ =	shalt  }
0x46: {  	_ =	shalt  }
0x47: {  	_ =	shalt  }
0x48: {  	_ =	shalt  }
0x49: {  	_ =	shalt  }
0x4a: {  	_ =	shalt  }
0x4b: {  	_ =	shalt  }
0x4c: {  	_ =	shalt  }
0x4d: {  	_ =	shalt  }
0x4e: {  	_ =	shalt  }
0x4f: {  	_ =	shalt  }
0x50: {  	_ =	shalt  }
0x51: {  	_ =	shalt  }
0x52: {  	_ =	shalt  }
0x53: {  	_ =	shalt  }
0x54: {  	_ =	shalt  }
0x55: {  	_ =	shalt  }
0x56: {  	_ =	shalt  }
0x57: {  	_ =	shalt  }
0x58: {  	_ =	shalt  }
0x59: {  	_ =	shalt  }
0x5a: {  	_ =	shalt  }
0x5b: {  	_ =	shalt  }
0x5c: {  	_ =	shalt  }
0x5d: {  	_ =	shalt  }
0x5e: {  	_ =	shalt  }
0x5f: {  	_ =	shalt  }
0x60: {  	_ =	shalt  }
0x61: {  	_ =	shalt  }
0x62: {  	_ =	shalt  }
0x63: {  	_ =	shalt  }
0x64: {  	_ =	shalt  }
0x65: {  	_ =	shalt  }
0x66: {  	_ =	shalt  }
0x67: {  	_ =	shalt  }
0x68: {  	_ =	shalt  }
0x69: {  	_ =	shalt  }
0x6a: {  	_ =	shalt  }
0x6b: {  	_ =	shalt  }
0x6c: {  	_ =	shalt  }
0x6d: {  	_ =	shalt  }
0x6e: {  	_ =	shalt  }
0x6f: {  	_ =	shalt  }
0x70: {  	_ =	shalt  }
0x71: {  	_ =	shalt  }
0x72: {  	_ =	shalt  }
0x73: {  	_ =	shalt  }
0x74: {  	_ =	shalt  }
0x75: {  	_ =	shalt  }
0x76: {  	_ =	shalt  }
0x77: {  	_ =	shalt  }
0x78: {  	_ =	shalt  }
0x79: {  	_ =	shalt  }
0x7a: {  	_ =	shalt  }
0x7b: {  	_ =	shalt  }
0x7c: {  	_ =	shalt  }
0x7d: {  	_ =	shalt  }
0x7e: {  	_ =	shalt  }
0x7f: {  	_ =	shalt  }
0x80: {  	_ =	shalt  }
0x81: {  	_ =	shalt  }
0x82: {  	_ =	shalt  }
0x83: {  	_ =	shalt  }
0x84: {  	_ =	shalt  }
0x85: {  	_ =	shalt  }
0x86: {  	_ =	shalt  }
0x87: {  	_ =	shalt  }
.Lfunc_end0:
.L_simem_size_0:
called_computation_lowered:
.L_overlay_start_0:
0x88: {  	s2 =	sld [smem:$0x3FD9]  }
0x89: {  	s3 =	sld [smem:$0x3FFE];
	_ =	sdelay $0x1  }
0x8a: {  	s1 =	srdreg.scid  }
0x8b: {  	s0 =	sand.u32 $0x1, s1  }
0x8c: {  	s17 =	sshll.u32 s0, $0xA;
	s2 =	sadd.s32 s3, s2  }
0x8d: {  	s2 =	sadd.s32 s2, s17  }
0x8e: {  	[smem:$0x3FC3] =	sst s2  }
0x8f: {  	_ = 	snop  }
0x90: {  	s2 =	sld [smem:$0x3FC9]  }
0x91: {  	s18 =	sld [smem:$0x3FD0];
	(tm) =	ssettm $0x1  }
0x92: {  	s4 =	sld [smem:$0x3FFB];
	_ =	sdelay $0x3  }
0x93: {  	_ =	strace s4  }
0x94: {  	s4 =	sld [smem:$0x3FFC];
	_ =	sdelay $0x3  }
0x95: {  	_ =	strace s4  }
0x96: {  	s4 =	sld [smem:$0x3FFD];
	_ =	sdelay $0x3  }
0x97: {  	_ =	strace s4  }
0x98: {  	_ =	strace $0x8FFFFFFF  }
0x99: {  	s19 =	sld [smem:$0x3FDB];
	_ =	sdelay $0x1  }
0x9a: {  	s5 =	simm.s32 $_scs_section_size  }
0x9b: {  	s6 =	simm.s32 $_size__tile_overlayer_lowered;
	s7 =	simm.s32 $_tile_overlayer_lowered  }
0x9c: {  	s22 =	simm.s32 $0x1BFF;
	s21 =	sshll.u32 s7, $0x1;
	s4 =	sadd.s32 s5, s19  }
0x9d: {  	s8 =	simm.s32 $0x0;
	s20 =	sshll.u32 s6, $0x1;
	s6 =	sadd.s32 s21, s4  }
0x9e: {  	[timem:s8], [sflag:s22] =	dma.local [hbm:s6], s20  }
0x9f: {  	_ =	swait.ge [sflag:s22], s20  }
0xa0: {  	s5 =	ssub.s32 $0x0, s20;
	[sflag:s22] =	ssyncset.done $0x0  }
0xa1: {  	[sflag:s22] =	ssyncadd.s32 s5;
	_ =	sdelay $0x1  }
0xa2: {  	s23 =	simm.s32 $0x1B8B  }
0xa3: {  	_ =	swait.ge [sflag:s23], $0x1  }
0xa4: {  	[sflag:s23] =	ssyncset.done $0x0  }
0xa5: {  	s25 =	simm.s32 $0x1B8E;
	s24 =	sld [smem:$0x3FFE];
	[sflag:s23] =	ssyncadd.s32 $0xFFFFFFFF  }
0xa6: {  	s26 =	simm.s32 $execute0_lowered;
	[smem:$0x3FD2] =	sst s25  }
0xa7: {  	s6 =	sshll.u32 s26, $0x1;
	_ =	strace $0x80000046;
	[dreg:$0x1] =	wrdreg $0xFFFFFFFF  }
0xa8: {  	s28 =	simm.s32 $_size_execute0_lowered;
	s4 =	sadd.s32 s4, s6;
	[dreg:$0x0] =	wrdreg $0x0  }
0xa9: {  	s6 =	sshll.u32 s28, $0x1;
	[dreg:$0x2] =	wrdreg s4  }
0xaa: {  	[dreg:$0x3] =	wrdreg s6  }
0xab: {  	[dreg:$0x4] =	wrdreg $0xC0  }
0xac: {  	_ =	task [dreg:s8], $0x5FFFF  }
0xad: {  	[dreg:$0x1] =	wrdreg $0xFFFFFFFF  }
0xae: {  	[dreg:$0x0] =	wrdreg $0x60  }
0xaf: {  	[dreg:$0x2] =	wrdreg s2  }
0xb0: {  	[dreg:$0x3] =	wrdreg s24  }
0xb1: {  	[dreg:$0x4] =	wrdreg s18  }
0xb2: {  	[dreg:$0x5] =	wrdreg $0x9  }
0xb3: {  	_ =	task.clear_ibuf [dreg:s8], $0x6FFFF;
	_ =	strace $0x90000046  }
0xb4: {  	s29 =	simm.s32 $0x9;
	_ =	strace $0x80000048  }
0xb5: {  	_ =	swait.ge [sflag:s29], $0x1  }
0xb6: {  	[sflag:s29] =	ssyncadd.s32 $0xFFFFFFFF  }
0xb7: {  	_ =	strace $0x90000048  }
0xb8: {  	_ =	sfence  }
0xb9: {  	s30 =	sld [smem:$0x0];
	_ =	sdelay $0x2  }
0xba: {  	s31 =	sshll.u32 s1, $0xD;
	s1 =	sshrl.u32 s1, $0x2  }
0xbb: {  	s3 =	sand.u32 $0x4000, s31;
	s1 =	sadd.s32 s1, s30  }
0xbc: {  	s0 =	sor.u32 s3, s0;
	s1 =	sshll.u32 s1, $0x11  }
0xbd: {  	s0 =	sor.u32 s1, s0  }
0xbe: {  	s0 =	sadd.s32 $0x8F2B, s0  }
0xbf: {  	[sflag:s0] =	ssyncadd.remote.s32 $0x1  }
0xc0: {  	_ =	sfence.sel $0xFFFF  }
0xc1: {  	[dreg:$0x0] =	wrdreg $0xFFFFFFFF;
	(pc) =	sbr.abs _section_cstart, $3  }
0xc2: {  	[dreg:$0x1] =	wrdreg $0xFFFFFFFF  }
0xc3: {  	_ =	task.clear_ibuf [dreg:s8], $0x2FFFF;
	_ =	strace $0x9FFFFFFF  }
0xc4: {  	(tm) =	ssettm $0x7FFFFFFF  }
0xc5: {  	_ =	shalt  }
tec
execute0_lowered:
.L_overlay_start_1:
0x0: {  	(tag) =	ssettag $0x1  }
0x1: {  	s0 =	rddreg [dreg:$0x0]  }
0x2: {  	s1 =	rddreg [dreg:$0x1];
	s2 =	srdreg.scid  }
0x3: {  	s6 =	stileid.u32;
	s3 =	simm.s32 $0x0;
	s12 =	simm.s32 $0x1  }
0x4: {  	s16 =	simm.s32 $0xC100;
	s17 =	simm.s32 $0x1100;
	s18 =	simm.s32 $0x1900  }
0x5: {  	s19 =	simm.s32 $0x2100;
	s20 =	simm.s32 $0x2900;
	s21 =	simm.s32 $0x3100  }
0x6: {  	s22 =	simm.s32 $0x3900;
	s23 =	simm.s32 $0x4100;
	s28 =	simm.s32 $0x6100  }
0x7: {  	s29 =	simm.s32 $0x6900;
	s30 =	simm.s32 $0x7100;
	s31 =	simm.s32 $0x7900  }
0x8: {  	s10 =	simm.s32 $0xA100;
	s11 =	simm.s32 $0xA900;
	s9 =	simm.s32 $0xB100  }
0x9: {  	s15 =	simm.s32 $0xB900;
	s2 =	sand.u32 $0x1, s2;
	s5 =	sshll.u32 s6, $0xA  }
0xa: {  	[smem:$0x7FF] =	sst s3;
	s6 =	sshll.u32 s6, $0x7;
	s4 =	sshll.u32 s2, $0x6  }
0xb: {  	_ =	strace $0x80000047;
	s2 =	ssub.s32 $0x2, s2;
	s5 =	sor.u32 s4, s5  }
0xc: {  	s4 =	sor.u32 s4, s6;
	s24 =	sshrl.u32 s2, $0x1;
	s5 =	sshrl.u32 s5, $0x3  }
0xd: {  	s6 =	sshll.u32 s4, $0x4;
	s4 =	sshrl.u32 s4, $0x3;
	s5 =	sadd.s32 s5, s1  }
0xe: {  	s2 =	ssub.s32 s2, s24;
	s24 =	simm.s32 $0x4900;
	s7 =	sadd.s32 $0x11800, s5  }
0xf: {  	s6 =	sadd.s32 s6, s1;
	s5 =	sadd.s32 $0x11810, s5;
	[dreg:$0x4] =	wrdreg s7  }
0x10: {  	s8 =	smul.u32 $0x300, s4;
	s25 =	sadd.s32 $0x1800, s6;
	[dreg:$0x5] =	wrdreg s5  }
0x11: {  	s4 =	sadd.s32 $0x12000, s1;
	s26 =	sadd.s32 $0x9800, s6;
	[dreg:$0x7] =	wrdreg s25  }
0x12: {  	v2 =	vlaneseq.u32;
	s6 =	sadd.s32 $0x12200, s1;
	s0 =	sadd.s32 s0, s8;
	[dreg:$0x8] =	wrdreg s26  }
0x13: {  	vm0 =	vmmov $0xffff;
	v1 =	vshrl.u32 v2, $0x3;
	s5 =	sadd.s32 $0x12100, s1;
	s7 =	smax.u32 s2, $0x1;
	s25 =	simm.s32 $0x5100  }
0x14: {  	v0 =	vand.u32 $0x7, v2;
	v2 =	vor.u32 $0x8, v2;
	v1 =	vmul.u32 $0x8, v1;
	s26 =	simm.s32 $0x5900;
	s8 =	simm.s32 $0x9900;
	[dreg:$0x6] =	wrdreg s0  }
.LBB2_1:
0x15: {  	s13 =	rddreg [dreg:$0x4]  }
0x16: {  	[tilespmem:s3], [sflag:$0x1] =	stream.linear.gather [hbm4b:s13+s3], $0x40, $0x38;
	[tilespmem:$0x10100] =	vst v63  }
0x17: {  	s14 =	rddreg [dreg:$0x5];
	s0 =	simm.s32 $0x80  }
0x18: {  	[tilespmem:s0], [sflag:$0x1] =	stream.linear.gather [hbm4b:s14+s3], $0x40, $0x38;
	[tilespmem:$0x10100] =	vst v63  }
0x19: {  	s2 =	rddreg [dreg:$0x6];
	s0 =	simm.s32 $0x100  }
0x1a: {  	[tilespmem:s0], [sflag:$0x1] =	stream.linear.gather [hbm4b:s2+s3], $0xC000, $0x38;
	[tilespmem:$0x10100] =	vst v63  }
0x1b: {  	s1 =	rddreg [dreg:$0x7]  }
0x1c: {  	[tilespmem:s16], [sflag:$0x1] =	stream.linear.gather [hbm4b:s1+s3], $0x2000, $0x38;
	[tilespmem:$0x10100] =	vst v63  }
0x1d: {  	s2 =	rddreg [dreg:$0x8];
	s1 =	simm.s32 $0xE100  }
0x1e: {  	[tilespmem:s1], [sflag:$0x1] =	stream.linear.gather [hbm4b:s2+s3], $0x2000, $0x38;
	[tilespmem:$0x10100] =	vst v63  }
0x1f: {  	_ =	swait.ge [sflag:s12], $0x40  }
0x20: {  	[sflag:s12] =	ssyncset.done $0x0  }
0x21: {  	[sflag:s12] =	ssyncadd.s32 $0xFFFFFFC0  }
0x22: {  	_ =	swait.ge [sflag:s12], $0x40  }
0x23: {  	[sflag:s12] =	ssyncset.done $0x0  }
0x24: {  	[sflag:s12] =	ssyncadd.s32 $0xFFFFFFC0  }
0x25: {  	_ =	swait.ge [sflag:s12], $0xC000  }
0x26: {  	[sflag:s12] =	ssyncset.done $0x0  }
0x27: {  	[sflag:s12] =	ssyncadd.s32 $0xFFFF4000  }
0x28: {  	_ =	swait.ge [sflag:s12], $0x2000  }
0x29: {  	[sflag:s12] =	ssyncset.done $0x0  }
0x2a: {  	[sflag:s12] =	ssyncadd.s32 $0xFFFFE000  }
0x2b: {  	_ =	swait.ge [sflag:s12], $0x2000  }
0x2c: {  	[sflag:s12] =	ssyncset.done $0x0  }
0x2d: {  	[sflag:s12] =	ssyncadd.s32 $0xFFFFE000  }
0x2e: {  	v3 =	vld [tilespmem:$0x0];
	_ =	sdelay $0x4  }
0x2f: {  	v4 =	vshrl.u32 v3, $0x3  }
0x30: {  	v4 =	vmul.u32 $0x30, v4  }
0x31: {  	v3 =	vand.u32 $0x7, v3  }
0x32: {  	v3 =	vor.u32 v3, v4  }
0x33: {  	v4 =	vperm.xlane v3, v0;
	_ =	sdelay $0x1  }
0x34: {  	v4 =	vadd.s32 v1, v4;
	_ =	sdelay $0x3  }
0x35: {  	v3 =	vperm.xlane v3, v2  }
0x36: {  	[hbm4b:s4+s3] =	stream.indirect_vreg.scatter [tilespmem:s0], [sflag:$0x1], $0x80, v4, vm0, $0xb8;
	[tilespmem:$0x10100] =	vst v63  }
0x37: {  	s13 =	simm.s32 $0x900;
	v3 =	vadd.s32 v1, v3  }
0x38: {  	[hbm4b:s5+s3] =	stream.indirect_vreg.scatter [tilespmem:s13], [sflag:$0x1], $0x80, v4, vm0, $0xb8;
	[tilespmem:$0x10100] =	vst v63  }
0x39: {  	_ = 	snop  }
0x3a: {  	[hbm4b:s6+s3] =	stream.indirect_vreg.scatter [tilespmem:s17], [sflag:$0x1], $0x80, v4, vm0, $0xb8;
	[tilespmem:$0x10100] =	vst v63  }
0x3b: {  	_ = 	snop  }
0x3c: {  	[hbm4b:s4+s3] =	stream.indirect_vreg.scatter [tilespmem:s18], [sflag:$0x1], $0x80, v3, vm0, $0xb8;
	[tilespmem:$0x10100] =	vst v63  }
0x3d: {  	_ = 	snop  }
0x3e: {  	[hbm4b:s5+s3] =	stream.indirect_vreg.scatter [tilespmem:s19], [sflag:$0x1], $0x80, v3, vm0, $0xb8;
	[tilespmem:$0x10100] =	vst v63  }
0x3f: {  	_ = 	snop  }
0x40: {  	[hbm4b:s6+s3] =	stream.indirect_vreg.scatter [tilespmem:s20], [sflag:$0x1], $0x80, v3, vm0, $0xb8;
	[tilespmem:$0x10100] =	vst v63  }
0x41: {  	v3 =	vld [tilespmem:$0x10];
	_ =	sdelay $0x4  }
0x42: {  	v57 =	vshrl.u32 v3, $0x3  }
0x43: {  	v4 =	vmul.u32 $0x30, v57  }
0x44: {  	v3 =	vand.u32 $0x7, v3  }
0x45: {  	v3 =	vor.u32 v3, v4  }
0x46: {  	v4 =	vperm.xlane v3, v0;
	_ =	sdelay $0x1  }
0x47: {  	v4 =	vadd.s32 v1, v4;
	_ =	sdelay $0x3  }
0x48: {  	v3 =	vperm.xlane v3, v2  }
0x49: {  	[hbm4b:s4+s3] =	stream.indirect_vreg.scatter [tilespmem:s21], [sflag:$0x1], $0x80, v4, vm0, $0xb8;
	[tilespmem:$0x10100] =	vst v63  }
0x4a: {  	v3 =	vadd.s32 v1, v3  }
0x4b: {  	[hbm4b:s5+s3] =	stream.indirect_vreg.scatter [tilespmem:s22], [sflag:$0x1], $0x80, v4, vm0, $0xb8;
	[tilespmem:$0x10100] =	vst v63  }
0x4c: {  	_ = 	snop  }
0x4d: {  	[hbm4b:s6+s3] =	stream.indirect_vreg.scatter [tilespmem:s23], [sflag:$0x1], $0x80, v4, vm0, $0xb8;
	[tilespmem:$0x10100] =	vst v63  }
0x4e: {  	_ = 	snop  }
0x4f: {  	[hbm4b:s4+s3] =	stream.indirect_vreg.scatter [tilespmem:s24], [sflag:$0x1], $0x80, v3, vm0, $0xb8;
	[tilespmem:$0x10100] =	vst v63  }
0x50: {  	_ = 	snop  }
0x51: {  	[hbm4b:s5+s3] =	stream.indirect_vreg.scatter [tilespmem:s25], [sflag:$0x1], $0x80, v3, vm0, $0xb8;
	[tilespmem:$0x10100] =	vst v63  }
0x52: {  	_ = 	snop  }
0x53: {  	[hbm4b:s6+s3] =	stream.indirect_vreg.scatter [tilespmem:s26], [sflag:$0x1], $0x80, v3, vm0, $0xb8;
	[tilespmem:$0x10100] =	vst v63  }
0x54: {  	v3 =	vld [tilespmem:$0x20];
	_ =	sdelay $0x4  }
0x55: {  	v58 =	vshrl.u32 v3, $0x3  }
0x56: {  	v4 =	vmul.u32 $0x30, v58  }
0x57: {  	v3 =	vand.u32 $0x7, v3  }
0x58: {  	v3 =	vor.u32 v3, v4  }
0x59: {  	v4 =	vperm.xlane v3, v0;
	_ =	sdelay $0x1  }
0x5a: {  	v4 =	vadd.s32 v1, v4;
	_ =	sdelay $0x3  }
0x5b: {  	v3 =	vperm.xlane v3, v2  }
0x5c: {  	[hbm4b:s4+s3] =	stream.indirect_vreg.scatter [tilespmem:s28], [sflag:$0x1], $0x80, v4, vm0, $0xb8;
	[tilespmem:$0x10100] =	vst v63  }
0x5d: {  	v3 =	vadd.s32 v1, v3  }
0x5e: {  	[hbm4b:s5+s3] =	stream.indirect_vreg.scatter [tilespmem:s29], [sflag:$0x1], $0x80, v4, vm0, $0xb8;
	[tilespmem:$0x10100] =	vst v63  }
0x5f: {  	_ = 	snop  }
0x60: {  	[hbm4b:s6+s3] =	stream.indirect_vreg.scatter [tilespmem:s30], [sflag:$0x1], $0x80, v4, vm0, $0xb8;
	[tilespmem:$0x10100] =	vst v63  }
0x61: {  	_ = 	snop  }
0x62: {  	[hbm4b:s4+s3] =	stream.indirect_vreg.scatter [tilespmem:s31], [sflag:$0x1], $0x80, v3, vm0, $0xb8;
	[tilespmem:$0x10100] =	vst v63  }
0x63: {  	s14 =	simm.s32 $0x8100  }
0x64: {  	[hbm4b:s5+s3] =	stream.indirect_vreg.scatter [tilespmem:s14], [sflag:$0x1], $0x80, v3, vm0, $0xb8;
	[tilespmem:$0x10100] =	vst v63  }
0x65: {  	s1 =	simm.s32 $0x8900  }
0x66: {  	[hbm4b:s6+s3] =	stream.indirect_vreg.scatter [tilespmem:s1], [sflag:$0x1], $0x80, v3, vm0, $0xb8;
	[tilespmem:$0x10100] =	vst v63  }
0x67: {  	v3 =	vld [tilespmem:$0x30];
	_ =	sdelay $0x4  }
0x68: {  	v59 =	vshrl.u32 v3, $0x3  }
0x69: {  	v4 =	vmul.u32 $0x30, v59  }
0x6a: {  	v3 =	vand.u32 $0x7, v3  }
0x6b: {  	v3 =	vor.u32 v3, v4  }
0x6c: {  	v4 =	vperm.xlane v3, v0;
	_ =	sdelay $0x1  }
0x6d: {  	v4 =	vadd.s32 v1, v4;
	_ =	sdelay $0x3  }
0x6e: {  	s2 =	simm.s32 $0x9100;
	v3 =	vperm.xlane v3, v2  }
0x6f: {  	[hbm4b:s4+s3] =	stream.indirect_vreg.scatter [tilespmem:s2], [sflag:$0x1], $0x80, v4, vm0, $0xb8;
	[tilespmem:$0x10100] =	vst v63  }
0x70: {  	v3 =	vadd.s32 v1, v3  }
0x71: {  	[hbm4b:s5+s3] =	stream.indirect_vreg.scatter [tilespmem:s8], [sflag:$0x1], $0x80, v4, vm0, $0xb8;
	[tilespmem:$0x10100] =	vst v63  }
0x72: {  	_ = 	snop  }
0x73: {  	[hbm4b:s6+s3] =	stream.indirect_vreg.scatter [tilespmem:s10], [sflag:$0x1], $0x80, v4, vm0, $0xb8;
	[tilespmem:$0x10100] =	vst v63  }
0x74: {  	_ = 	snop  }
0x75: {  	[hbm4b:s4+s3] =	stream.indirect_vreg.scatter [tilespmem:s11], [sflag:$0x1], $0x80, v3, vm0, $0xb8;
	[tilespmem:$0x10100] =	vst v63  }
0x76: {  	_ = 	snop  }
0x77: {  	[hbm4b:s5+s3] =	stream.indirect_vreg.scatter [tilespmem:s9], [sflag:$0x1], $0x80, v3, vm0, $0xb8;
	[tilespmem:$0x10100] =	vst v63  }
0x78: {  	_ = 	snop  }
0x79: {  	[hbm4b:s6+s3] =	stream.indirect_vreg.scatter [tilespmem:s15], [sflag:$0x1], $0x80, v3, vm0, $0xb8;
	[tilespmem:$0x10100] =	vst v63  }
0x7a: {  	v3 =	vld [tilespmem:$0x80];
	_ =	sdelay $0x4  }
0x7b: {  	v60 =	vshrl.u32 v3, $0x3  }
0x7c: {  	v4 =	vmul.u32 $0x30, v60  }
0x7d: {  	v3 =	vand.u32 $0x7, v3  }
0x7e: {  	v3 =	vor.u32 v3, v4  }
0x7f: {  	v4 =	vperm.xlane v3, v0;
	_ =	sdelay $0x1  }
0x80: {  	v4 =	vadd.s32 v1, v4;
	_ =	sdelay $0x3  }
0x81: {  	v3 =	vperm.xlane v3, v2  }
0x82: {  	[hbm4b:s4+s3] =	stream.indirect_vreg.scatter [tilespmem:s0], [sflag:$0x1], $0x80, v4, vm0, $0xb8;
	[tilespmem:$0x10100] =	vst v63  }
0x83: {  	v3 =	vadd.s32 v1, v3  }
0x84: {  	[hbm4b:s5+s3] =	stream.indirect_vreg.scatter [tilespmem:s13], [sflag:$0x1], $0x80, v4, vm0, $0xb8;
	[tilespmem:$0x10100] =	vst v63  }
0x85: {  	_ = 	snop  }
0x86: {  	[hbm4b:s6+s3] =	stream.indirect_vreg.scatter [tilespmem:s17], [sflag:$0x1], $0x80, v4, vm0, $0xb8;
	[tilespmem:$0x10100] =	vst v63  }
0x87: {  	_ = 	snop  }
0x88: {  	[hbm4b:s4+s3] =	stream.indirect_vreg.scatter [tilespmem:s18], [sflag:$0x1], $0x80, v3, vm0, $0xb8;
	[tilespmem:$0x10100] =	vst v63  }
0x89: {  	_ = 	snop  }
0x8a: {  	[hbm4b:s5+s3] =	stream.indirect_vreg.scatter [tilespmem:s19], [sflag:$0x1], $0x80, v3, vm0, $0xb8;
	[tilespmem:$0x10100] =	vst v63  }
0x8b: {  	_ = 	snop  }
0x8c: {  	[hbm4b:s6+s3] =	stream.indirect_vreg.scatter [tilespmem:s20], [sflag:$0x1], $0x80, v3, vm0, $0xb8;
	[tilespmem:$0x10100] =	vst v63  }
0x8d: {  	v3 =	vld [tilespmem:$0x90];
	_ =	sdelay $0x4  }
0x8e: {  	v61 =	vshrl.u32 v3, $0x3  }
0x8f: {  	v4 =	vmul.u32 $0x30, v61  }
0x90: {  	v3 =	vand.u32 $0x7, v3  }
0x91: {  	v3 =	vor.u32 v3, v4  }
0x92: {  	v4 =	vperm.xlane v3, v0;
	_ =	sdelay $0x1  }
0x93: {  	v4 =	vadd.s32 v1, v4;
	_ =	sdelay $0x3  }
0x94: {  	v3 =	vperm.xlane v3, v2  }
0x95: {  	[hbm4b:s4+s3] =	stream.indirect_vreg.scatter [tilespmem:s21], [sflag:$0x1], $0x80, v4, vm0, $0xb8;
	[tilespmem:$0x10100] =	vst v63  }
0x96: {  	v3 =	vadd.s32 v1, v3  }
0x97: {  	[hbm4b:s5+s3] =	stream.indirect_vreg.scatter [tilespmem:s22], [sflag:$0x1], $0x80, v4, vm0, $0xb8;
	[tilespmem:$0x10100] =	vst v63  }
0x98: {  	_ = 	snop  }
0x99: {  	[hbm4b:s6+s3] =	stream.indirect_vreg.scatter [tilespmem:s23], [sflag:$0x1], $0x80, v4, vm0, $0xb8;
	[tilespmem:$0x10100] =	vst v63  }
0x9a: {  	_ = 	snop  }
0x9b: {  	[hbm4b:s4+s3] =	stream.indirect_vreg.scatter [tilespmem:s24], [sflag:$0x1], $0x80, v3, vm0, $0xb8;
	[tilespmem:$0x10100] =	vst v63  }
0x9c: {  	_ = 	snop  }
0x9d: {  	[hbm4b:s5+s3] =	stream.indirect_vreg.scatter [tilespmem:s25], [sflag:$0x1], $0x80, v3, vm0, $0xb8;
	[tilespmem:$0x10100] =	vst v63  }
0x9e: {  	_ = 	snop  }
0x9f: {  	[hbm4b:s6+s3] =	stream.indirect_vreg.scatter [tilespmem:s26], [sflag:$0x1], $0x80, v3, vm0, $0xb8;
	[tilespmem:$0x10100] =	vst v63  }
0xa0: {  	v3 =	vld [tilespmem:$0xA0];
	_ =	sdelay $0x4  }
0xa1: {  	v62 =	vshrl.u32 v3, $0x3  }
0xa2: {  	v4 =	vmul.u32 $0x30, v62  }
0xa3: {  	v3 =	vand.u32 $0x7, v3  }
0xa4: {  	v3 =	vor.u32 v3, v4  }
0xa5: {  	v4 =	vperm.xlane v3, v0;
	_ =	sdelay $0x1  }
0xa6: {  	v4 =	vadd.s32 v1, v4;
	_ =	sdelay $0x3  }
0xa7: {  	v3 =	vperm.xlane v3, v2  }
0xa8: {  	[hbm4b:s4+s3] =	stream.indirect_vreg.scatter [tilespmem:s28], [sflag:$0x1], $0x80, v4, vm0, $0xb8;
	[tilespmem:$0x10100] =	vst v63  }
0xa9: {  	v3 =	vadd.s32 v1, v3  }
0xaa: {  	[hbm4b:s5+s3] =	stream.indirect_vreg.scatter [tilespmem:s29], [sflag:$0x1], $0x80, v4, vm0, $0xb8;
	[tilespmem:$0x10100] =	vst v63  }
0xab: {  	_ = 	snop  }
0xac: {  	[hbm4b:s6+s3] =	stream.indirect_vreg.scatter [tilespmem:s30], [sflag:$0x1], $0x80, v4, vm0, $0xb8;
	[tilespmem:$0x10100] =	vst v63  }
0xad: {  	_ = 	snop  }
0xae: {  	[hbm4b:s4+s3] =	stream.indirect_vreg.scatter [tilespmem:s31], [sflag:$0x1], $0x80, v3, vm0, $0xb8;
	[tilespmem:$0x10100] =	vst v63  }
0xaf: {  	_ = 	snop  }
0xb0: {  	[hbm4b:s5+s3] =	stream.indirect_vreg.scatter [tilespmem:s14], [sflag:$0x1], $0x80, v3, vm0, $0xb8;
	[tilespmem:$0x10100] =	vst v63  }
0xb1: {  	_ = 	snop  }
0xb2: {  	[hbm4b:s6+s3] =	stream.indirect_vreg.scatter [tilespmem:s1], [sflag:$0x1], $0x80, v3, vm0, $0xb8;
	[tilespmem:$0x10100] =	vst v63  }
0xb3: {  	v3 =	vld [tilespmem:$0xB0];
	_ =	sdelay $0x4  }
0xb4: {  	v63 =	vshrl.u32 v3, $0x3  }
0xb5: {  	v4 =	vmul.u32 $0x30, v63  }
0xb6: {  	v3 =	vand.u32 $0x7, v3  }
0xb7: {  	v3 =	vor.u32 v3, v4  }
0xb8: {  	v4 =	vperm.xlane v3, v0;
	_ =	sdelay $0x1  }
0xb9: {  	v4 =	vadd.s32 v1, v4;
	_ =	sdelay $0x3  }
0xba: {  	v3 =	vperm.xlane v3, v2  }
0xbb: {  	[hbm4b:s4+s3] =	stream.indirect_vreg.scatter [tilespmem:s2], [sflag:$0x1], $0x80, v4, vm0, $0xb8;
	[tilespmem:$0x10100] =	vst v63  }
0xbc: {  	v3 =	vadd.s32 v1, v3  }
0xbd: {  	[hbm4b:s5+s3] =	stream.indirect_vreg.scatter [tilespmem:s8], [sflag:$0x1], $0x80, v4, vm0, $0xb8;
	[tilespmem:$0x10100] =	vst v63  }
0xbe: {  	_ = 	snop  }
0xbf: {  	[hbm4b:s6+s3] =	stream.indirect_vreg.scatter [tilespmem:s10], [sflag:$0x1], $0x80, v4, vm0, $0xb8;
	[tilespmem:$0x10100] =	vst v63  }
0xc0: {  	_ = 	snop  }
0xc1: {  	[hbm4b:s4+s3] =	stream.indirect_vreg.scatter [tilespmem:s11], [sflag:$0x1], $0x80, v3, vm0, $0xb8;
	[tilespmem:$0x10100] =	vst v63  }
0xc2: {  	_ = 	snop  }
0xc3: {  	[hbm4b:s5+s3] =	stream.indirect_vreg.scatter [tilespmem:s9], [sflag:$0x1], $0x80, v3, vm0, $0xb8;
	[tilespmem:$0x10100] =	vst v63  }
0xc4: {  	_ = 	snop  }
0xc5: {  	[hbm4b:s6+s3] =	stream.indirect_vreg.scatter [tilespmem:s15], [sflag:$0x1], $0x80, v3, vm0, $0xb8;
	[tilespmem:$0x10100] =	vst v63  }
0xc6: {  	s0 =	rddreg [dreg:$0x2];
	s1 =	simm.s32 $0x40  }
0xc7: {  	[hbm4b:s0+s1] =	stream.indirect.scatter [tilespmem:s16], [sflag:$0x1], $0x80, s3, s1, $0xb8;
	[tilespmem:$0x10100] =	vst v63  }
0xc8: {  	s14 =	simm.s32 $0xE100;
	s2 =	simm.s32 $0x80  }
0xc9: {  	[hbm4b:s0+s1] =	stream.indirect.scatter [tilespmem:s14], [sflag:$0x1], $0x80, s2, s1, $0xb8;
	[tilespmem:$0x10100] =	vst v63  }
0xca: {  	_ =	swait.ge [sflag:s12], $0xC000  }
0xcb: {  	[sflag:s12] =	ssyncset.done $0x0  }
0xcc: {  	[sflag:s12] =	ssyncadd.s32 $0xFFFF4000  }
0xcd: {  	_ =	swait.ge [sflag:s12], $0xC000  }
0xce: {  	[sflag:s12] =	ssyncset.done $0x0  }
0xcf: {  	[sflag:s12] =	ssyncadd.s32 $0xFFFF4000  }
0xd0: {  	p0 =	sne.s32 s7, $0x1;
	_ =	swait.ge [sflag:s12], $0x2000  }
.Ltmp0:
0xd1: {  	[sflag:s12] =	ssyncset.done $0x0;
	(pc) =	sbr.rel @p0 .LBB2_1-.Ltmp0, $4  }
0xd2: {  	[sflag:s12] =	ssyncadd.s32 $0xFFFFE000  }
0xd3: {  	_ =	swait.ge [sflag:s12], $0x2000  }
0xd4: {  	[sflag:s12] =	ssyncset.done $0x0  }
0xd5: {  	s7 =	sadd.s32 $0xFFFFFFFF, s7;
	[sflag:s12] =	ssyncadd.s32 $0xFFFFE000  }
0xd6: {  	_ =	sfence.sel $0x180000  }
0xd7: {  	[bflag:$0x0] =	sbarrier.arrive $0xFFFF  }
0xd8: {  	_ =	strace $0x90000047  }
0xd9: {  	s0 =	stileid.u32;
	[bflag:$0x2] =	sbarrier.arrive $0xFFFF  }
0xda: {  	p0 =	sne.s32 s0, $0x0;
	s0 =	rddreg [dreg:$0x3]  }
0xdb: {  	s0 =	sadd.s32 @!p0 $0x100000, s0  }
0xdc: {  	[sflag:s0] =	ssyncadd.tile.s32 @!p0 $0x1;
	_ =	shalt  }
.Lfunc_end2:
_tile_overlayer_lowered:
.L_overlay_start_2:
0xdd: {  	(tag) =	ssettag $0x2  }
0xde: {  	s0 =	rddreg [dreg:$0x0];
	s2 =	stileid.u32  }
0xdf: {  	s1 =	rddreg [dreg:$0x1];
	p0 =	sne.s32 s2, $0x0  }
0xe0: {  	s3 =	rddreg [dreg:$0x2];
	[bflag:$0x3] =	sbarrier.arrive $0xFFFF;
	s2 =	simm.s32 @!p0 $0x1C02  }
0xe1: {  	[timem:s3], [sflag:s2] =	dma.local @!p0 [hbm:s0], s1  }
0xe2: {  	s0 =	simm.s32 @!p0 $0x2  }
0xe3: {  	_ =	swait.ge @!p0 [sflag:s0], s1  }
0xe4: {  	s1 =	ssub.s32 @!p0 $0x0, s1;
	[sflag:s0] =	ssyncset.done @!p0 $0x0  }
0xe5: {  	[sflag:s0] =	ssyncadd.s32 @!p0 s1  }
0xe6: {  	[bflag:$0x3] =	sbarrier.arrive $0xFFFF  }
0xe7: {  	_ =	shalt  }

// kernel: kernel.9.cloned.1.call-start
scs
__scs_entry_jumppad:
0x0: {  	(pc) =	sbr.rel $0x88, $3  }
0x1: {  	(tag) =	ssettag $0x0;
	lr =	simm.s32 $0x1  }
0x2: {  	[smem:$0x3F9C] =	sst lr;
	_ =	strace $0xD0000000  }
0x3: {  	_ = 	snop  }
0x4: {  	_ = 	snop  }
0x5: {  	_ = 	snop  }
0x6: {  	_ = 	snop  }
0x7: {  	_ = 	snop  }
__scs_overlays_trampoline_lowered:
0x8: {  	[smem:$0x3FAB] =	sst s0  }
0x9: {  	[smem:$0x3FAC] =	sst s1  }
0xa: {  	[smem:$0x3FAD] =	sst s2  }
0xb: {  	[smem:$0x3FAE] =	sst s3  }
0xc: {  	[smem:$0x3FAF] =	sst s4  }
0xd: {  	[smem:$0x3FB0] =	sst s5  }
0xe: {  	[smem:$0x3FB1] =	sst s6  }
0xf: {  	[smem:$0x3FB2] =	sst s7  }
0x10: {  	[smem:$0x3FB3] =	sst s8  }
0x11: {  	[smem:$0x3FB4] =	sst s9;
	s0 =	simm.s32 @!p0 $0x0  }
0x12: {  	s1 =	sld [smem:$0x3F9A];
	s0 =	simm.s32 @p0 $0x1  }
0x13: {  	[smem:$0x3FB5] =	sst s0;
	s0 =	simm.s32 @!p1 $0x0  }
0x14: {  	s2 =	sld [smem:$0x3F99];
	s0 =	simm.s32 @p1 $0x1  }
0x15: {  	[smem:$0x3FB6] =	sst s0;
	s0 =	simm.s32 @!p2 $0x0  }
0x16: {  	s3 =	sld [smem:$0x3FDB];
	s0 =	simm.s32 @p2 $0x1  }
0x17: {  	s4 =	simm.s32 $0x1BF5;
	[smem:$0x3FB8] =	sst s0  }
0x18: {  	s0 =	sld [smem:$0x3F9B];
	_ =	swait.ge [sflag:s4], $0x0  }
0x19: {  	s7 =	sld [smem:$0x3F9C]  }
0x1a: {  	s8 =	sadd.s32 $0xFFFFE003, lr  }
0x1b: {  	s9 =	sadd.s32 $0xFFFFFEF7, lr;
	s5 =	simm.s32 $0xFFFFFFFF;
	p2 =	slt.u32 s8, $0xFFFFF086  }
0x1c: {  	p1 =	slt.u32 s9, $0xF7A;
	s5 =	simm.s32 @!p2 $0x0  }
0x1d: {  	s5 =	simm.s32 @p1 $0x1;
	p0 =	seq.s32 s7, s2  }
0x1e: {  	s7 =	smul.u32 @!p0 $0xF7A, s2;
	p2 =	seq.s32 @!p0 s5, $0x0  }
0x1f: {  	s9 =	smul.u32 $0xF7A, s1;
	s8 =	simm.s32 @!p0 $0x1BF5;
	p2 =	por !p2, p0  }
0x20: {  	[sflag:s8] =	ssyncset.s32 @!p0 $0xFFFFF086;
	s6 =	sadd.s32 @!p0 s3, s7;
	s7 =	simm.s32 @!p0 $0x108  }
0x21: {  	s3 =	sadd.s32 s3, s9;
	s6 =	sadd.s32 @!p0 $0x88, s6;
	s7 =	simm.s32 @p2 $0x1082  }
0x22: {  	[simem:s7], [sflag:s8] =	dma.local @!p0 [hbm:s6], $0xF7A  }
0x23: {  	s9 =	sor.u32 $0xD0000000, s2;
	s6 =	simm.s32 $0x108;
	_ =	swait.ge @!p0 [sflag:s8], $0x0  }
0x24: {  	s3 =	sadd.s32 $0x88, s3;
	s6 =	simm.s32 @!p1 $0x1082;
	[sflag:s4] =	ssyncset.s32 $0xFFFFF086  }
0x25: {  	[simem:s6], [sflag:s4] =	dma.local [hbm:s3], $0xF7A  }
0x26: {  	[smem:$0x3F9C] =	sst s1;
	(tag) =	ssettag s2;
	_ =	strace s9  }
0x27: {  	s1 =	sld [smem:$0x3FAC]  }
0x28: {  	s2 =	sld [smem:$0x3FAD]  }
0x29: {  	s4 =	sld [smem:$0x3FAF]  }
0x2a: {  	p0 =	seq.s32 s5, $0x0;
	s5 =	sld [smem:$0x3FB0]  }
0x2b: {  	s6 =	sld [smem:$0x3FB1]  }
0x2c: {  	s7 =	sld [smem:$0x3FB2]  }
0x2d: {  	s3 =	simm.s32 $0x108;
	s8 =	sld [smem:$0x3FB3]  }
0x2e: {  	s3 =	simm.s32 @!p0 $0x1082;
	s9 =	sld [smem:$0x3FB4]  }
0x2f: {  	lr =	sadd.s32 s0, s3;
	s0 =	sld [smem:$0x3FAB]  }
0x30: {  	s3 =	sld [smem:$0x3FAE]  }
0x31: {  	[smem:$0x3FB7] =	sst s10  }
0x32: {  	s10 =	sld [smem:$0x3FB5];
	_ =	sdelay $0x3  }
0x33: {  	p0 =	seq.s32 s10, $0x1;
	s10 =	sld [smem:$0x3FB7];
	_ =	sdelay $0x3  }
0x34: {  	[smem:$0x3FB7] =	sst s10  }
0x35: {  	s10 =	sld [smem:$0x3FB6];
	_ =	sdelay $0x3  }
0x36: {  	p1 =	seq.s32 s10, $0x1;
	s10 =	sld [smem:$0x3FB7];
	_ =	sdelay $0x3  }
0x37: {  	[smem:$0x3FB7] =	sst s10  }
0x38: {  	s10 =	sld [smem:$0x3FB8]  }
0x39: {  	_ = 	snop;
	(pc) =	sbr.ind lr, $3  }
0x3a: {  	_ = 	snop  }
0x3b: {  	_ = 	snop  }
0x3c: {  	p2 =	seq.s32 s10, $0x1;
	s10 =	sld [smem:$0x3FB7]  }
0x3d: {  	_ =	shalt  }
0x3e: {  	_ =	shalt  }
0x3f: {  	_ =	shalt  }
0x40: {  	_ =	shalt  }
0x41: {  	_ =	shalt  }
0x42: {  	_ =	shalt  }
0x43: {  	_ =	shalt  }
0x44: {  	_ =	shalt  }
0x45: {  	_ =	shalt  }
0x46: {  	_ =	shalt  }
0x47: {  	_ =	shalt  }
0x48: {  	_ =	shalt  }
0x49: {  	_ =	shalt  }
0x4a: {  	_ =	shalt  }
0x4b: {  	_ =	shalt  }
0x4c: {  	_ =	shalt  }
0x4d: {  	_ =	shalt  }
0x4e: {  	_ =	shalt  }
0x4f: {  	_ =	shalt  }
0x50: {  	_ =	shalt  }
0x51: {  	_ =	shalt  }
0x52: {  	_ =	shalt  }
0x53: {  	_ =	shalt  }
0x54: {  	_ =	shalt  }
0x55: {  	_ =	shalt  }
0x56: {  	_ =	shalt  }
0x57: {  	_ =	shalt  }
0x58: {  	_ =	shalt  }
0x59: {  	_ =	shalt  }
0x5a: {  	_ =	shalt  }
0x5b: {  	_ =	shalt  }
0x5c: {  	_ =	shalt  }
0x5d: {  	_ =	shalt  }
0x5e: {  	_ =	shalt  }
0x5f: {  	_ =	shalt  }
0x60: {  	_ =	shalt  }
0x61: {  	_ =	shalt  }
0x62: {  	_ =	shalt  }
0x63: {  	_ =	shalt  }
0x64: {  	_ =	shalt  }
0x65: {  	_ =	shalt  }
0x66: {  	_ =	shalt  }
0x67: {  	_ =	shalt  }
0x68: {  	_ =	shalt  }
0x69: {  	_ =	shalt  }
0x6a: {  	_ =	shalt  }
0x6b: {  	_ =	shalt  }
0x6c: {  	_ =	shalt  }
0x6d: {  	_ =	shalt  }
0x6e: {  	_ =	shalt  }
0x6f: {  	_ =	shalt  }
0x70: {  	_ =	shalt  }
0x71: {  	_ =	shalt  }
0x72: {  	_ =	shalt  }
0x73: {  	_ =	shalt  }
0x74: {  	_ =	shalt  }
0x75: {  	_ =	shalt  }
0x76: {  	_ =	shalt  }
0x77: {  	_ =	shalt  }
0x78: {  	_ =	shalt  }
0x79: {  	_ =	shalt  }
0x7a: {  	_ =	shalt  }
0x7b: {  	_ =	shalt  }
0x7c: {  	_ =	shalt  }
0x7d: {  	_ =	shalt  }
0x7e: {  	_ =	shalt  }
0x7f: {  	_ =	shalt  }
0x80: {  	_ =	shalt  }
0x81: {  	_ =	shalt  }
0x82: {  	_ =	shalt  }
0x83: {  	_ =	shalt  }
0x84: {  	_ =	shalt  }
0x85: {  	_ =	shalt  }
0x86: {  	_ =	shalt  }
0x87: {  	_ =	shalt  }
.Lfunc_end0:
.L_simem_size_0:
called_computation.1_lowered:
.L_overlay_start_0:
0x88: {  	s2 =	sld [smem:$0x3FD9]  }
0x89: {  	s3 =	sld [smem:$0x3FFE];
	_ =	sdelay $0x1  }
0x8a: {  	s1 =	srdreg.scid  }
0x8b: {  	s0 =	sand.u32 $0x1, s1  }
0x8c: {  	s17 =	sshll.u32 s0, $0xA;
	s2 =	sadd.s32 s3, s2  }
0x8d: {  	s2 =	sadd.s32 s2, s17  }
0x8e: {  	[smem:$0x3FC3] =	sst s2  }
0x8f: {  	_ = 	snop  }
0x90: {  	s2 =	sld [smem:$0x3FD0];
	(tm) =	ssettm $0x1  }
0x91: {  	s18 =	sld [smem:$0x3FFB];
	_ =	sdelay $0x3  }
0x92: {  	_ =	strace s18  }
0x93: {  	s3 =	sld [smem:$0x3FFC];
	_ =	sdelay $0x3  }
0x94: {  	_ =	strace s3  }
0x95: {  	s3 =	sld [smem:$0x3FFD];
	_ =	sdelay $0x3  }
0x96: {  	_ =	strace s3  }
0x97: {  	_ =	strace $0x8FFFFFFF  }
0x98: {  	s19 =	sld [smem:$0x3FDB];
	_ =	sdelay $0x1  }
0x99: {  	s4 =	simm.s32 $_scs_section_size  }
0x9a: {  	s5 =	simm.s32 $_size__tile_overlayer_lowered;
	s6 =	simm.s32 $_tile_overlayer_lowered  }
0x9b: {  	s22 =	simm.s32 $0x1BFF;
	s21 =	sshll.u32 s6, $0x1;
	s3 =	sadd.s32 s4, s19  }
0x9c: {  	s7 =	simm.s32 $0x0;
	s20 =	sshll.u32 s5, $0x1;
	s5 =	sadd.s32 s21, s3  }
0x9d: {  	[timem:s7], [sflag:s22] =	dma.local [hbm:s5], s20  }
0x9e: {  	_ =	swait.ge [sflag:s22], s20  }
0x9f: {  	s4 =	ssub.s32 $0x0, s20;
	[sflag:s22] =	ssyncset.done $0x0  }
0xa0: {  	[sflag:s22] =	ssyncadd.s32 s4;
	_ =	sdelay $0x1  }
0xa1: {  	s23 =	simm.s32 $0x1B8B  }
0xa2: {  	_ =	swait.ge [sflag:s23], $0x1  }
0xa3: {  	[sflag:s23] =	ssyncset.done $0x0  }
0xa4: {  	s25 =	simm.s32 $0x1B8E;
	s24 =	sld [smem:$0x3FFE];
	[sflag:s23] =	ssyncadd.s32 $0xFFFFFFFF  }
0xa5: {  	s26 =	simm.s32 $execute0_lowered;
	[smem:$0x3FD2] =	sst s25  }
0xa6: {  	s5 =	sshll.u32 s26, $0x1;
	_ =	strace $0x80000049;
	[dreg:$0x1] =	wrdreg $0xFFFFFFFF  }
0xa7: {  	s28 =	simm.s32 $_size_execute0_lowered;
	s3 =	sadd.s32 s3, s5;
	[dreg:$0x0] =	wrdreg $0x0  }
0xa8: {  	s5 =	sshll.u32 s28, $0x1;
	[dreg:$0x2] =	wrdreg s3  }
0xa9: {  	[dreg:$0x3] =	wrdreg s5  }
0xaa: {  	[dreg:$0x4] =	wrdreg $0xC0  }
0xab: {  	_ =	task [dreg:s7], $0x5FFFF  }
0xac: {  	[dreg:$0x1] =	wrdreg $0xFFFFFFFF  }
0xad: {  	[dreg:$0x0] =	wrdreg $0x60  }
0xae: {  	[dreg:$0x2] =	wrdreg s24  }
0xaf: {  	[dreg:$0x3] =	wrdreg s2  }
0xb0: {  	[dreg:$0x4] =	wrdreg $0x9  }
0xb1: {  	_ =	task.clear_ibuf [dreg:s7], $0x5FFFF;
	_ =	strace $0x90000049  }
0xb2: {  	s29 =	simm.s32 $0x9;
	_ =	strace $0x8000004B  }
0xb3: {  	_ =	swait.ge [sflag:s29], $0x1  }
0xb4: {  	[sflag:s29] =	ssyncadd.s32 $0xFFFFFFFF  }
0xb5: {  	_ =	strace $0x9000004B  }
0xb6: {  	_ =	sfence  }
0xb7: {  	s30 =	sld [smem:$0x0];
	_ =	sdelay $0x2  }
0xb8: {  	s31 =	sshll.u32 s1, $0xD;
	s1 =	sshrl.u32 s1, $0x2  }
0xb9: {  	s3 =	sand.u32 $0x4000, s31;
	s1 =	sadd.s32 s1, s30  }
0xba: {  	s0 =	sor.u32 s3, s0;
	s1 =	sshll.u32 s1, $0x11  }
0xbb: {  	s0 =	sor.u32 s1, s0  }
0xbc: {  	s0 =	sadd.s32 $0x8F2B, s0  }
0xbd: {  	[sflag:s0] =	ssyncadd.remote.s32 $0x1  }
0xbe: {  	_ =	sfence.sel $0xFFFF  }
0xbf: {  	[dreg:$0x0] =	wrdreg $0xFFFFFFFF;
	(pc) =	sbr.abs _section_cstart, $3  }
0xc0: {  	[dreg:$0x1] =	wrdreg $0xFFFFFFFF  }
0xc1: {  	_ =	task.clear_ibuf [dreg:s7], $0x2FFFF;
	_ =	strace $0x9FFFFFFF  }
0xc2: {  	(tm) =	ssettm $0x7FFFFFFF  }
0xc3: {  	_ =	shalt  }
tec
execute0_lowered:
.L_overlay_start_1:
0x0: {  	(tag) =	ssettag $0x1  }
0x1: {  	s0 =	rddreg [dreg:$0x0]  }
0x2: {  	s1 =	rddreg [dreg:$0x1];
	s2 =	simm.s32 $0x0  }
0x3: {  	s3 =	srdreg.scid;
	s7 =	stileid.u32;
	s10 =	simm.s32 $0x2  }
0x4: {  	s12 =	simm.s32 $0x100;
	s25 =	simm.s32 $0x11100;
	s28 =	simm.s32 $0x12100  }
0x5: {  	s29 =	simm.s32 $0x12900;
	s30 =	simm.s32 $0x13100;
	s31 =	simm.s32 $0x13900  }
0x6: {  	s11 =	simm.s32 $0x15100;
	s13 =	simm.s32 $0x15900;
	s14 =	simm.s32 $0x16100  }
0x7: {  	s15 =	simm.s32 $0x16900;
	s16 =	simm.s32 $0x17100;
	s17 =	simm.s32 $0x17900  }
0x8: {  	s18 =	simm.s32 $0x1;
	s19 =	simm.s32 $0x0;
	[smem:$0x7FF] =	sst s2  }
0x9: {  	s4 =	sand.u32 $0x1, s3;
	s6 =	sshll.u32 s7, $0xA;
	s3 =	sadd.s32 $0xD2000, s0  }
0xa: {  	s7 =	sshll.u32 s7, $0x7;
	_ =	strace $0x8000004A;
	s5 =	sshll.u32 s4, $0x6  }
0xb: {  	s4 =	ssub.s32 $0x2, s4;
	s6 =	sor.u32 s5, s6;
	s5 =	sor.u32 s5, s7  }
0xc: {  	s26 =	sshrl.u32 s4, $0x1;
	s7 =	sadd.s32 $0xD2200, s0;
	s6 =	sshrl.u32 s6, $0x3  }
0xd: {  	s5 =	sshrl.u32 s5, $0x3;
	s9 =	ssub.s32 s4, s26;
	s26 =	simm.s32 $0x11900  }
0xe: {  	v2 =	vlaneseq.u32;
	s6 =	sadd.s32 s6, s0;
	s8 =	smul.u32 $0x300, s5;
	s9 =	smax.u32 s9, $0x1  }
0xf: {  	vm0 =	vmmov $0xffff;
	v1 =	vshrl.u32 v2, $0x3;
	s4 =	sadd.s32 $0x11800, s6;
	s5 =	sadd.s32 $0x11810, s6;
	s6 =	sadd.s32 $0xD2100, s0  }
0x10: {  	v0 =	vand.u32 $0x7, v2;
	v2 =	vor.u32 $0x8, v2;
	v1 =	vmul.u32 $0x8, v1;
	s0 =	simm.s32 $0x14100;
	s8 =	sadd.s32 s1, s8;
	s1 =	simm.s32 $0x14900  }
.LBB2_1:
0x11: {  	[tilespmem:s2], [sflag:$0x2] =	stream.linear.gather [hbm4b:s4+s2], $0x40, $0x38;
	[tilespmem:$0x18100] =	vst v63  }
0x12: {  	_ =	swait.ge [sflag:s10], $0x40  }
0x13: {  	[sflag:s10] =	ssyncset.done $0x0  }
0x14: {  	s20 =	simm.s32 $0x80;
	[sflag:s10] =	ssyncadd.s32 $0xFFFFFFC0  }
0x15: {  	[tilespmem:s20], [sflag:$0x2] =	stream.linear.gather [hbm4b:s5+s2], $0x40, $0x38;
	[tilespmem:$0x18100] =	vst v63  }
0x16: {  	_ =	swait.ge [sflag:s10], $0x40  }
0x17: {  	[sflag:s10] =	ssyncset.done $0x0  }
0x18: {  	[sflag:s10] =	ssyncadd.s32 $0xFFFFFFC0  }
0x19: {  	v3 =	vld [tilespmem:$0x0];
	_ =	sdelay $0x4  }
0x1a: {  	v4 =	vshrl.u32 v3, $0x3  }
0x1b: {  	v4 =	vmul.u32 $0x30, v4  }
0x1c: {  	v3 =	vand.u32 $0x7, v3  }
0x1d: {  	v3 =	vor.u32 v3, v4  }
0x1e: {  	v4 =	vperm.xlane v3, v0;
	_ =	sdelay $0x1  }
0x1f: {  	v4 =	vadd.s32 v1, v4;
	_ =	sdelay $0x3  }
0x20: {  	v3 =	vperm.xlane v3, v2  }
0x21: {  	[tilespmem:s12], [sflag:$0x1] =	stream.indirect_vreg.gather [hbm4b:s3+s2], $0x80, v4, vm0, $0xb8;
	[tilespmem:$0x18100] =	vst v63  }
0x22: {  	s23 =	simm.s32 $0x900;
	v3 =	vadd.s32 v1, v3  }
0x23: {  	[tilespmem:s23], [sflag:$0x1] =	stream.indirect_vreg.gather [hbm4b:s6+s2], $0x80, v4, vm0, $0xb8;
	[tilespmem:$0x18100] =	vst v63  }
0x24: {  	s24 =	simm.s32 $0x1100  }
0x25: {  	[tilespmem:s24], [sflag:$0x1] =	stream.indirect_vreg.gather [hbm4b:s7+s2], $0x80, v4, vm0, $0xb8;
	[tilespmem:$0x18100] =	vst v63  }
0x26: {  	s21 =	simm.s32 $0x1900  }
0x27: {  	[tilespmem:s21], [sflag:$0x1] =	stream.indirect_vreg.gather [hbm4b:s3+s2], $0x80, v3, vm0, $0xb8;
	[tilespmem:$0x18100] =	vst v63  }
0x28: {  	s22 =	simm.s32 $0x2100  }
0x29: {  	[tilespmem:s22], [sflag:$0x1] =	stream.indirect_vreg.gather [hbm4b:s6+s2], $0x80, v3, vm0, $0xb8;
	[tilespmem:$0x18100] =	vst v63  }
0x2a: {  	s23 =	simm.s32 $0x2900  }
0x2b: {  	[tilespmem:s23], [sflag:$0x1] =	stream.indirect_vreg.gather [hbm4b:s7+s2], $0x80, v3, vm0, $0xb8;
	[tilespmem:$0x18100] =	vst v63  }
0x2c: {  	v3 =	vld [tilespmem:$0x10];
	_ =	sdelay $0x4  }
0x2d: {  	v4 =	vshrl.u32 v3, $0x3  }
0x2e: {  	v4 =	vmul.u32 $0x30, v4  }
0x2f: {  	v3 =	vand.u32 $0x7, v3  }
0x30: {  	v3 =	vor.u32 v3, v4  }
0x31: {  	v4 =	vperm.xlane v3, v0;
	_ =	sdelay $0x1  }
0x32: {  	v4 =	vadd.s32 v1, v4;
	_ =	sdelay $0x3  }
0x33: {  	s24 =	simm.s32 $0x3100;
	v3 =	vperm.xlane v3, v2  }
0x34: {  	[tilespmem:s24], [sflag:$0x1] =	stream.indirect_vreg.gather [hbm4b:s3+s2], $0x80, v4, vm0, $0xb8;
	[tilespmem:$0x18100] =	vst v63  }
0x35: {  	s21 =	simm.s32 $0x3900;
	v3 =	vadd.s32 v1, v3  }
0x36: {  	[tilespmem:s21], [sflag:$0x1] =	stream.indirect_vreg.gather [hbm4b:s6+s2], $0x80, v4, vm0, $0xb8;
	[tilespmem:$0x18100] =	vst v63  }
0x37: {  	s22 =	simm.s32 $0x4100  }
0x38: {  	[tilespmem:s22], [sflag:$0x1] =	stream.indirect_vreg.gather [hbm4b:s7+s2], $0x80, v4, vm0, $0xb8;
	[tilespmem:$0x18100] =	vst v63  }
0x39: {  	s23 =	simm.s32 $0x4900  }
0x3a: {  	[tilespmem:s23], [sflag:$0x1] =	stream.indirect_vreg.gather [hbm4b:s3+s2], $0x80, v3, vm0, $0xb8;
	[tilespmem:$0x18100] =	vst v63  }
0x3b: {  	s24 =	simm.s32 $0x5100  }
0x3c: {  	[tilespmem:s24], [sflag:$0x1] =	stream.indirect_vreg.gather [hbm4b:s6+s2], $0x80, v3, vm0, $0xb8;
	[tilespmem:$0x18100] =	vst v63  }
0x3d: {  	s21 =	simm.s32 $0x5900  }
0x3e: {  	[tilespmem:s21], [sflag:$0x1] =	stream.indirect_vreg.gather [hbm4b:s7+s2], $0x80, v3, vm0, $0xb8;
	[tilespmem:$0x18100] =	vst v63  }
0x3f: {  	v3 =	vld [tilespmem:$0x20];
	_ =	sdelay $0x4  }
0x40: {  	v4 =	vshrl.u32 v3, $0x3  }
0x41: {  	v4 =	vmul.u32 $0x30, v4  }
0x42: {  	v3 =	vand.u32 $0x7, v3  }
0x43: {  	v3 =	vor.u32 v3, v4  }
0x44: {  	v4 =	vperm.xlane v3, v0;
	_ =	sdelay $0x1  }
0x45: {  	v4 =	vadd.s32 v1, v4;
	_ =	sdelay $0x3  }
0x46: {  	s22 =	simm.s32 $0x6100;
	v3 =	vperm.xlane v3, v2  }
0x47: {  	[tilespmem:s22], [sflag:$0x1] =	stream.indirect_vreg.gather [hbm4b:s3+s2], $0x80, v4, vm0, $0xb8;
	[tilespmem:$0x18100] =	vst v63  }
0x48: {  	s23 =	simm.s32 $0x6900;
	v3 =	vadd.s32 v1, v3  }
0x49: {  	[tilespmem:s23], [sflag:$0x1] =	stream.indirect_vreg.gather [hbm4b:s6+s2], $0x80, v4, vm0, $0xb8;
	[tilespmem:$0x18100] =	vst v63  }
0x4a: {  	s24 =	simm.s32 $0x7100  }
0x4b: {  	[tilespmem:s24], [sflag:$0x1] =	stream.indirect_vreg.gather [hbm4b:s7+s2], $0x80, v4, vm0, $0xb8;
	[tilespmem:$0x18100] =	vst v63  }
0x4c: {  	s21 =	simm.s32 $0x7900  }
0x4d: {  	[tilespmem:s21], [sflag:$0x1] =	stream.indirect_vreg.gather [hbm4b:s3+s2], $0x80, v3, vm0, $0xb8;
	[tilespmem:$0x18100] =	vst v63  }
0x4e: {  	s22 =	simm.s32 $0x8100  }
0x4f: {  	[tilespmem:s22], [sflag:$0x1] =	stream.indirect_vreg.gather [hbm4b:s6+s2], $0x80, v3, vm0, $0xb8;
	[tilespmem:$0x18100] =	vst v63  }
0x50: {  	s23 =	simm.s32 $0x8900  }
0x51: {  	[tilespmem:s23], [sflag:$0x1] =	stream.indirect_vreg.gather [hbm4b:s7+s2], $0x80, v3, vm0, $0xb8;
	[tilespmem:$0x18100] =	vst v63  }
0x52: {  	v3 =	vld [tilespmem:$0x30];
	_ =	sdelay $0x4  }
0x53: {  	v4 =	vshrl.u32 v3, $0x3  }
0x54: {  	v4 =	vmul.u32 $0x30, v4  }
0x55: {  	v3 =	vand.u32 $0x7, v3  }
0x56: {  	v3 =	vor.u32 v3, v4  }
0x57: {  	v4 =	vperm.xlane v3, v0;
	_ =	sdelay $0x1  }
0x58: {  	v4 =	vadd.s32 v1, v4;
	_ =	sdelay $0x3  }
0x59: {  	s24 =	simm.s32 $0x9100;
	v3 =	vperm.xlane v3, v2  }
0x5a: {  	[tilespmem:s24], [sflag:$0x1] =	stream.indirect_vreg.gather [hbm4b:s3+s2], $0x80, v4, vm0, $0xb8;
	[tilespmem:$0x18100] =	vst v63  }
0x5b: {  	s21 =	simm.s32 $0x9900;
	v3 =	vadd.s32 v1, v3  }
0x5c: {  	[tilespmem:s21], [sflag:$0x1] =	stream.indirect_vreg.gather [hbm4b:s6+s2], $0x80, v4, vm0, $0xb8;
	[tilespmem:$0x18100] =	vst v63  }
0x5d: {  	s22 =	simm.s32 $0xA100  }
0x5e: {  	[tilespmem:s22], [sflag:$0x1] =	stream.indirect_vreg.gather [hbm4b:s7+s2], $0x80, v4, vm0, $0xb8;
	[tilespmem:$0x18100] =	vst v63  }
0x5f: {  	s23 =	simm.s32 $0xA900  }
0x60: {  	[tilespmem:s23], [sflag:$0x1] =	stream.indirect_vreg.gather [hbm4b:s3+s2], $0x80, v3, vm0, $0xb8;
	[tilespmem:$0x18100] =	vst v63  }
0x61: {  	s24 =	simm.s32 $0xB100  }
0x62: {  	[tilespmem:s24], [sflag:$0x1] =	stream.indirect_vreg.gather [hbm4b:s6+s2], $0x80, v3, vm0, $0xb8;
	[tilespmem:$0x18100] =	vst v63  }
0x63: {  	s21 =	simm.s32 $0xB900  }
0x64: {  	[tilespmem:s21], [sflag:$0x1] =	stream.indirect_vreg.gather [hbm4b:s7+s2], $0x80, v3, vm0, $0xb8;
	[tilespmem:$0x18100] =	vst v63  }
0x65: {  	v3 =	vld [tilespmem:$0x80];
	_ =	sdelay $0x4  }
0x66: {  	v4 =	vshrl.u32 v3, $0x3  }
0x67: {  	v4 =	vmul.u32 $0x30, v4  }
0x68: {  	v3 =	vand.u32 $0x7, v3  }
0x69: {  	v3 =	vor.u32 v3, v4  }
0x6a: {  	v4 =	vperm.xlane v3, v0;
	_ =	sdelay $0x1  }
0x6b: {  	v4 =	vadd.s32 v1, v4;
	_ =	sdelay $0x3  }
0x6c: {  	s22 =	simm.s32 $0xC100;
	v3 =	vperm.xlane v3, v2  }
0x6d: {  	[tilespmem:s22], [sflag:$0x1] =	stream.indirect_vreg.gather [hbm4b:s3+s2], $0x80, v4, vm0, $0xb8;
	[tilespmem:$0x18100] =	vst v63  }
0x6e: {  	s23 =	simm.s32 $0xC900;
	v3 =	vadd.s32 v1, v3  }
0x6f: {  	[tilespmem:s23], [sflag:$0x1] =	stream.indirect_vreg.gather [hbm4b:s6+s2], $0x80, v4, vm0, $0xb8;
	[tilespmem:$0x18100] =	vst v63  }
0x70: {  	s24 =	simm.s32 $0xD100  }
0x71: {  	[tilespmem:s24], [sflag:$0x1] =	stream.indirect_vreg.gather [hbm4b:s7+s2], $0x80, v4, vm0, $0xb8;
	[tilespmem:$0x18100] =	vst v63  }
0x72: {  	s21 =	simm.s32 $0xD900  }
0x73: {  	[tilespmem:s21], [sflag:$0x1] =	stream.indirect_vreg.gather [hbm4b:s3+s2], $0x80, v3, vm0, $0xb8;
	[tilespmem:$0x18100] =	vst v63  }
0x74: {  	s22 =	simm.s32 $0xE100  }
0x75: {  	[tilespmem:s22], [sflag:$0x1] =	stream.indirect_vreg.gather [hbm4b:s6+s2], $0x80, v3, vm0, $0xb8;
	[tilespmem:$0x18100] =	vst v63  }
0x76: {  	s23 =	simm.s32 $0xE900  }
0x77: {  	[tilespmem:s23], [sflag:$0x1] =	stream.indirect_vreg.gather [hbm4b:s7+s2], $0x80, v3, vm0, $0xb8;
	[tilespmem:$0x18100] =	vst v63  }
0x78: {  	v3 =	vld [tilespmem:$0x90];
	_ =	sdelay $0x4  }
0x79: {  	v4 =	vshrl.u32 v3, $0x3  }
0x7a: {  	v4 =	vmul.u32 $0x30, v4  }
0x7b: {  	v3 =	vand.u32 $0x7, v3  }
0x7c: {  	v3 =	vor.u32 v3, v4  }
0x7d: {  	v4 =	vperm.xlane v3, v0;
	_ =	sdelay $0x1  }
0x7e: {  	v4 =	vadd.s32 v1, v4;
	_ =	sdelay $0x3  }
0x7f: {  	s24 =	simm.s32 $0xF100;
	v3 =	vperm.xlane v3, v2  }
0x80: {  	[tilespmem:s24], [sflag:$0x1] =	stream.indirect_vreg.gather [hbm4b:s3+s2], $0x80, v4, vm0, $0xb8;
	[tilespmem:$0x18100] =	vst v63  }
0x81: {  	s21 =	simm.s32 $0xF900;
	v3 =	vadd.s32 v1, v3  }
0x82: {  	[tilespmem:s21], [sflag:$0x1] =	stream.indirect_vreg.gather [hbm4b:s6+s2], $0x80, v4, vm0, $0xb8;
	[tilespmem:$0x18100] =	vst v63  }
0x83: {  	s22 =	simm.s32 $0x10100  }
0x84: {  	[tilespmem:s22], [sflag:$0x1] =	stream.indirect_vreg.gather [hbm4b:s7+s2], $0x80, v4, vm0, $0xb8;
	[tilespmem:$0x18100] =	vst v63  }
0x85: {  	s23 =	simm.s32 $0x10900  }
0x86: {  	[tilespmem:s23], [sflag:$0x1] =	stream.indirect_vreg.gather [hbm4b:s3+s2], $0x80, v3, vm0, $0xb8;
	[tilespmem:$0x18100] =	vst v63  }
0x87: {  	_ = 	snop  }
0x88: {  	[tilespmem:s25], [sflag:$0x1] =	stream.indirect_vreg.gather [hbm4b:s6+s2], $0x80, v3, vm0, $0xb8;
	[tilespmem:$0x18100] =	vst v63  }
0x89: {  	_ = 	snop  }
0x8a: {  	[tilespmem:s26], [sflag:$0x1] =	stream.indirect_vreg.gather [hbm4b:s7+s2], $0x80, v3, vm0, $0xb8;
	[tilespmem:$0x18100] =	vst v63  }
0x8b: {  	v3 =	vld [tilespmem:$0xA0];
	_ =	sdelay $0x4  }
0x8c: {  	v4 =	vshrl.u32 v3, $0x3  }
0x8d: {  	v4 =	vmul.u32 $0x30, v4  }
0x8e: {  	v3 =	vand.u32 $0x7, v3  }
0x8f: {  	v3 =	vor.u32 v3, v4  }
0x90: {  	v4 =	vperm.xlane v3, v0;
	_ =	sdelay $0x1  }
0x91: {  	v4 =	vadd.s32 v1, v4;
	_ =	sdelay $0x3  }
0x92: {  	v3 =	vperm.xlane v3, v2  }
0x93: {  	[tilespmem:s28], [sflag:$0x1] =	stream.indirect_vreg.gather [hbm4b:s3+s2], $0x80, v4, vm0, $0xb8;
	[tilespmem:$0x18100] =	vst v63  }
0x94: {  	v3 =	vadd.s32 v1, v3  }
0x95: {  	[tilespmem:s29], [sflag:$0x1] =	stream.indirect_vreg.gather [hbm4b:s6+s2], $0x80, v4, vm0, $0xb8;
	[tilespmem:$0x18100] =	vst v63  }
0x96: {  	_ = 	snop  }
0x97: {  	[tilespmem:s30], [sflag:$0x1] =	stream.indirect_vreg.gather [hbm4b:s7+s2], $0x80, v4, vm0, $0xb8;
	[tilespmem:$0x18100] =	vst v63  }
0x98: {  	_ = 	snop  }
0x99: {  	[tilespmem:s31], [sflag:$0x1] =	stream.indirect_vreg.gather [hbm4b:s3+s2], $0x80, v3, vm0, $0xb8;
	[tilespmem:$0x18100] =	vst v63  }
0x9a: {  	_ = 	snop  }
0x9b: {  	[tilespmem:s0], [sflag:$0x1] =	stream.indirect_vreg.gather [hbm4b:s6+s2], $0x80, v3, vm0, $0xb8;
	[tilespmem:$0x18100] =	vst v63  }
0x9c: {  	_ = 	snop  }
0x9d: {  	[tilespmem:s1], [sflag:$0x1] =	stream.indirect_vreg.gather [hbm4b:s7+s2], $0x80, v3, vm0, $0xb8;
	[tilespmem:$0x18100] =	vst v63  }
0x9e: {  	v3 =	vld [tilespmem:$0xB0];
	_ =	sdelay $0x4  }
0x9f: {  	v4 =	vshrl.u32 v3, $0x3  }
0xa0: {  	v4 =	vmul.u32 $0x30, v4  }
0xa1: {  	v3 =	vand.u32 $0x7, v3  }
0xa2: {  	v3 =	vor.u32 v3, v4  }
0xa3: {  	v4 =	vperm.xlane v3, v0;
	_ =	sdelay $0x1  }
0xa4: {  	v4 =	vadd.s32 v1, v4;
	_ =	sdelay $0x3  }
0xa5: {  	v3 =	vperm.xlane v3, v2  }
0xa6: {  	[tilespmem:s11], [sflag:$0x1] =	stream.indirect_vreg.gather [hbm4b:s3+s2], $0x80, v4, vm0, $0xb8;
	[tilespmem:$0x18100] =	vst v63  }
0xa7: {  	v3 =	vadd.s32 v1, v3  }
0xa8: {  	[tilespmem:s13], [sflag:$0x1] =	stream.indirect_vreg.gather [hbm4b:s6+s2], $0x80, v4, vm0, $0xb8;
	[tilespmem:$0x18100] =	vst v63  }
0xa9: {  	_ = 	snop  }
0xaa: {  	[tilespmem:s14], [sflag:$0x1] =	stream.indirect_vreg.gather [hbm4b:s7+s2], $0x80, v4, vm0, $0xb8;
	[tilespmem:$0x18100] =	vst v63  }
0xab: {  	_ = 	snop  }
0xac: {  	[tilespmem:s15], [sflag:$0x1] =	stream.indirect_vreg.gather [hbm4b:s3+s2], $0x80, v3, vm0, $0xb8;
	[tilespmem:$0x18100] =	vst v63  }
0xad: {  	_ = 	snop  }
0xae: {  	[tilespmem:s16], [sflag:$0x1] =	stream.indirect_vreg.gather [hbm4b:s6+s2], $0x80, v3, vm0, $0xb8;
	[tilespmem:$0x18100] =	vst v63  }
0xaf: {  	_ = 	snop  }
0xb0: {  	[tilespmem:s17], [sflag:$0x1] =	stream.indirect_vreg.gather [hbm4b:s7+s2], $0x80, v3, vm0, $0xb8;
	[tilespmem:$0x18100] =	vst v63  }
0xb1: {  	_ =	swait.ge [sflag:s18], $0xC000  }
0xb2: {  	[sflag:s18] =	ssyncset.done $0x0  }
0xb3: {  	s24 =	simm.s32 $0x0;
	[sflag:s18] =	ssyncadd.s32 $0xFFFF4000  }
0xb4: {  	s20 =	smul.u32 $0x1800, s24;
	_ =	swait.ge [sflag:s18], $0xC000  }
0xb5: {  	s21 =	sand.u32 $0x380, s2;
	[sflag:s18] =	ssyncset.done $0x0  }
0xb6: {  	s20 =	sor.u32 s21, s20;
	[sflag:s18] =	ssyncadd.s32 $0xFFFF4000  }
0xb7: {  	v12 =	vld [tilespmem:s20+$0xC100]  }
0xb8: {  	v13 =	vld [tilespmem:s20+$0xC110]  }
0xb9: {  	v14 =	vld [tilespmem:s20+$0xC120]  }
0xba: {  	v15 =	vld [tilespmem:s20+$0xC130]  }
0xbb: {  	v16 =	vld [tilespmem:s20+$0xC140]  }
0xbc: {  	v17 =	vld [tilespmem:s20+$0xC150]  }
0xbd: {  	v18 =	vld [tilespmem:s20+$0xC160]  }
0xbe: {  	v19 =	vld [tilespmem:s20+$0xC170]  }
0xbf: {  	v20 =	vld [tilespmem:s20+$0xC500]  }
0xc0: {  	v21 =	vld [tilespmem:s20+$0xC510]  }
0xc1: {  	v22 =	vld [tilespmem:s20+$0xC520]  }
0xc2: {  	v23 =	vld [tilespmem:s20+$0xC530]  }
0xc3: {  	v24 =	vld [tilespmem:s20+$0xC540]  }
0xc4: {  	v25 =	vld [tilespmem:s20+$0xC550]  }
0xc5: {  	v26 =	vld [tilespmem:s20+$0xC560]  }
0xc6: {  	v27 =	vld [tilespmem:s20+$0xC570]  }
0xc7: {  	v28 =	vld [tilespmem:s20+$0xC900]  }
0xc8: {  	v29 =	vld [tilespmem:s20+$0xC910]  }
0xc9: {  	v30 =	vld [tilespmem:s20+$0xC920]  }
0xca: {  	v31 =	vld [tilespmem:s20+$0xC930]  }
0xcb: {  	v32 =	vld [tilespmem:s20+$0xC940]  }
0xcc: {  	v33 =	vld [tilespmem:s20+$0xC950]  }
0xcd: {  	v34 =	vld [tilespmem:s20+$0xC960]  }
0xce: {  	v35 =	vld [tilespmem:s20+$0xC970]  }
0xcf: {  	v36 =	vld [tilespmem:s20+$0xCD00]  }
0xd0: {  	v37 =	vld [tilespmem:s20+$0xCD10]  }
0xd1: {  	v38 =	vld [tilespmem:s20+$0xCD20]  }
0xd2: {  	v39 =	vld [tilespmem:s20+$0xCD30]  }
0xd3: {  	v40 =	vld [tilespmem:s20+$0xCD40]  }
0xd4: {  	v41 =	vld [tilespmem:s20+$0xCD50]  }
0xd5: {  	v42 =	vld [tilespmem:s20+$0xCD60]  }
0xd6: {  	v43 =	vld [tilespmem:s20+$0xCD70]  }
0xd7: {  	v44 =	vld [tilespmem:s20+$0xD100]  }
0xd8: {  	v45 =	vld [tilespmem:s20+$0xD110]  }
0xd9: {  	v46 =	vld [tilespmem:s20+$0xD120]  }
0xda: {  	v47 =	vld [tilespmem:s20+$0xD130]  }
0xdb: {  	v48 =	vld [tilespmem:s20+$0xD140]  }
0xdc: {  	v49 =	vld [tilespmem:s20+$0xD150]  }
0xdd: {  	v50 =	vld [tilespmem:s20+$0xD160]  }
0xde: {  	v11 =	vld [tilespmem:s20+$0xD170]  }
0xdf: {  	v10 =	vld [tilespmem:s20+$0xD500]  }
0xe0: {  	v9 =	vld [tilespmem:s20+$0xD510]  }
0xe1: {  	v8 =	vld [tilespmem:s20+$0xD520]  }
0xe2: {  	v7 =	vld [tilespmem:s20+$0xD530]  }
0xe3: {  	v6 =	vld [tilespmem:s20+$0xD540]  }
0xe4: {  	v51 =	vld [tilespmem:s20+$0x100]  }
0xe5: {  	v52 =	vld [tilespmem:s20+$0x110]  }
0xe6: {  	v53 =	vld [tilespmem:s20+$0x120]  }
0xe7: {  	v54 =	vld [tilespmem:s20+$0x130]  }
0xe8: {  	v55 =	vld [tilespmem:s20+$0x140]  }
0xe9: {  	v62 =	vld [tilespmem:s20+$0x150];
	v12 =	vadd.f32 v12, v51  }
0xea: {  	v63 =	vld [tilespmem:s20+$0x160];
	v13 =	vadd.f32 v13, v52  }
0xeb: {  	[tilespmem:s20+$0x100] =	vst v12;
	v12 =	vadd.f32 v14, v53;
	v14 =	vld [tilespmem:s20+$0x170]  }
0xec: {  	[tilespmem:s20+$0x110] =	vst v13;
	v13 =	vadd.f32 v15, v54;
	v15 =	vld [tilespmem:s20+$0x500]  }
0xed: {  	[tilespmem:s20+$0x120] =	vst v12;
	v12 =	vadd.f32 v16, v55;
	v16 =	vld [tilespmem:s20+$0x510]  }
0xee: {  	[tilespmem:s20+$0x130] =	vst v13;
	v13 =	vadd.f32 v17, v62;
	v17 =	vld [tilespmem:s20+$0x520]  }
0xef: {  	v5 =	vld [tilespmem:s20+$0xD550]  }
0xf0: {  	[tilespmem:s20+$0x140] =	vst v12;
	v12 =	vadd.f32 v18, v63;
	v18 =	vld [tilespmem:s20+$0x570]  }
0xf1: {  	[tilespmem:s20+$0x150] =	vst v13;
	v13 =	vadd.f32 v19, v14;
	v14 =	vld [tilespmem:s20+$0x530]  }
0xf2: {  	[tilespmem:s20+$0x160] =	vst v12;
	v12 =	vadd.f32 v20, v15;
	v15 =	vld [tilespmem:s20+$0x540]  }
0xf3: {  	[tilespmem:s20+$0x170] =	vst v13;
	v13 =	vadd.f32 v21, v16;
	v16 =	vadd.f32 v22, v17;
	v17 =	vld [tilespmem:s20+$0x560]  }
0xf4: {  	[tilespmem:s20+$0x500] =	vst v12;
	v12 =	vld [tilespmem:s20+$0x550]  }
0xf5: {  	[tilespmem:s20+$0x510] =	vst v13;
	v13 =	vld [tilespmem:s20+$0x900];
	v18 =	vadd.f32 v27, v18  }
0xf6: {  	[tilespmem:s20+$0x520] =	vst v16;
	v16 =	vld [tilespmem:s20+$0x910];
	v14 =	vadd.f32 v23, v14  }
0xf7: {  	v4 =	vld [tilespmem:s20+$0xD560];
	v15 =	vadd.f32 v24, v15;
	[tilespmem:s20+$0x570] =	vst v18  }
0xf8: {  	[tilespmem:s20+$0x530] =	vst v14;
	v14 =	vld [tilespmem:s20+$0x920];
	v17 =	vadd.f32 v26, v17  }
0xf9: {  	v12 =	vadd.f32 v25, v12;
	[tilespmem:s20+$0x540] =	vst v15;
	v15 =	vld [tilespmem:s20+$0x930]  }
0xfa: {  	v18 =	vld [tilespmem:s20+$0x970];
	[tilespmem:s20+$0x560] =	vst v17;
	v13 =	vadd.f32 v28, v13  }
0xfb: {  	v16 =	vadd.f32 v29, v16;
	[tilespmem:s20+$0x550] =	vst v12;
	v12 =	vld [tilespmem:s20+$0x940]  }
0xfc: {  	v17 =	vld [tilespmem:s20+$0x950];
	[tilespmem:s20+$0x900] =	vst v13  }
0xfd: {  	[tilespmem:s20+$0x910] =	vst v16;
	v16 =	vld [tilespmem:s20+$0x960];
	v13 =	vadd.f32 v30, v14  }
0xfe: {  	v14 =	vld [tilespmem:s20+$0xD00];
	v15 =	vadd.f32 v31, v15  }
0xff: {  	[tilespmem:s20+$0x920] =	vst v13;
	v13 =	vld [tilespmem:s20+$0xD10]  }
0x100: {  	v12 =	vadd.f32 v32, v12;
	[tilespmem:s20+$0x930] =	vst v15;
	v15 =	vld [tilespmem:s20+$0xD20]  }
0x101: {  	v3 =	vld [tilespmem:s20+$0xD570];
	v17 =	vadd.f32 v33, v17  }
0x102: {  	v16 =	vadd.f32 v34, v16;
	[tilespmem:s20+$0x940] =	vst v12;
	v12 =	vld [tilespmem:s20+$0xD30]  }
0x103: {  	[tilespmem:s20+$0x950] =	vst v17;
	v17 =	vld [tilespmem:s20+$0xD40];
	v14 =	vadd.f32 v36, v14  }
0x104: {  	v18 =	vadd.f32 v35, v18;
	[tilespmem:s20+$0x960] =	vst v16;
	v16 =	vld [tilespmem:s20+$0xD50]  }
0x105: {  	v13 =	vadd.f32 v37, v13;
	[tilespmem:s20+$0xD00] =	vst v14;
	v14 =	vadd.f32 v38, v15;
	v15 =	vld [tilespmem:s20+$0xD60]  }
0x106: {  	[tilespmem:s20+$0x970] =	vst v18;
	v18 =	vld [tilespmem:s20+$0xD70]  }
0x107: {  	[tilespmem:s20+$0xD10] =	vst v13;
	v13 =	vld [tilespmem:s20+$0x1100];
	v12 =	vadd.f32 v39, v12  }
0x108: {  	v17 =	vadd.f32 v40, v17;
	[tilespmem:s20+$0xD20] =	vst v14;
	v14 =	vld [tilespmem:s20+$0x1110]  }
0x109: {  	v16 =	vadd.f32 v41, v16;
	[tilespmem:s20+$0xD30] =	vst v12;
	v12 =	vld [tilespmem:s20+$0x1120]  }
0x10a: {  	[tilespmem:s20+$0xD40] =	vst v17;
	v17 =	vld [tilespmem:s20+$0x1130];
	v15 =	vadd.f32 v42, v15  }
0x10b: {  	v19 =	vld [tilespmem:s20+$0x1140];
	[tilespmem:s20+$0xD50] =	vst v16;
	v16 =	vadd.f32 v43, v18  }
0x10c: {  	v18 =	vld [tilespmem:s20+$0x1150];
	v13 =	vadd.f32 v44, v13;
	[tilespmem:s20+$0xD60] =	vst v15  }
0x10d: {  	v20 =	vld [tilespmem:s20+$0x1160];
	[tilespmem:s20+$0xD70] =	vst v16;
	v14 =	vadd.f32 v45, v14  }
0x10e: {  	v16 =	vld [tilespmem:s20+$0x1170];
	[tilespmem:s20+$0x1100] =	vst v13;
	v12 =	vadd.f32 v46, v12  }
0x10f: {  	v15 =	vld [tilespmem:s20+$0x1500];
	v13 =	vadd.f32 v47, v17;
	[tilespmem:s20+$0x1110] =	vst v14  }
0x110: {  	v14 =	vld [tilespmem:s20+$0x1510];
	[tilespmem:s20+$0x1120] =	vst v12;
	v12 =	vadd.f32 v48, v19  }
0x111: {  	[tilespmem:s20+$0x1130] =	vst v13;
	v13 =	vld [tilespmem:s20+$0x1520];
	v18 =	vadd.f32 v49, v18  }
0x112: {  	s21 =	simm.s32 $0x1;
	s22 =	simm.s32 $0x0;
	v17 =	vadd.f32 v50, v20;
	[tilespmem:s20+$0x1140] =	vst v12;
	v12 =	vld [tilespmem:s20+$0x1530]  }
.LBB2_2:
0x113: {  	s23 =	sshrl.u32 s21, $0x3;
	p0 =	sne.s32 s21, $0x3F;
	[tilespmem:s20+$0x1150] =	vst v18;
	v11 =	vadd.f32 v11, v16;
	v16 =	vld [tilespmem:s20+$0x1540]  }
0x114: {  	s22 =	sadd.s32 $0x80, s22;
	s23 =	smul.u32 $0x1800, s23;
	[tilespmem:s20+$0x1160] =	vst v17;
	v10 =	vadd.f32 v10, v15;
	v15 =	vld [tilespmem:s20+$0x1550]  }
0x115: {  	s24 =	sand.u32 $0x380, s22;
	[tilespmem:s20+$0x1170] =	vst v11;
	v9 =	vadd.f32 v9, v14;
	v11 =	vld [tilespmem:s20+$0x1560]  }
0x116: {  	s23 =	sor.u32 s24, s23;
	[tilespmem:s20+$0x1500] =	vst v10;
	v8 =	vadd.f32 v8, v13;
	v10 =	vld [tilespmem:s20+$0x1570]  }
0x117: {  	v39 =	vld [tilespmem:s23+$0xC100];
	[tilespmem:s20+$0x1510] =	vst v9;
	v7 =	vadd.f32 v7, v12  }
0x118: {  	v40 =	vld [tilespmem:s23+$0xC110];
	[tilespmem:s20+$0x1520] =	vst v8;
	v6 =	vadd.f32 v6, v16  }
0x119: {  	v41 =	vld [tilespmem:s23+$0xC120];
	[tilespmem:s20+$0x1530] =	vst v7;
	v5 =	vadd.f32 v5, v15  }
0x11a: {  	v42 =	vld [tilespmem:s23+$0xC130];
	[tilespmem:s20+$0x1540] =	vst v6;
	v4 =	vadd.f32 v4, v11  }
0x11b: {  	v43 =	vld [tilespmem:s23+$0xC140];
	[tilespmem:s20+$0x1550] =	vst v5;
	v3 =	vadd.f32 v3, v10  }
0x11c: {  	v44 =	vld [tilespmem:s23+$0xC150];
	[tilespmem:s20+$0x1560] =	vst v4  }
0x11d: {  	v45 =	vld [tilespmem:s23+$0xC160];
	[tilespmem:s20+$0x1570] =	vst v3;
	s20 =	smov.u32 s23  }
0x11e: {  	v46 =	vld [tilespmem:s20+$0xC170]  }
0x11f: {  	v47 =	vld [tilespmem:s20+$0xC500]  }
0x120: {  	v48 =	vld [tilespmem:s20+$0xC510]  }
0x121: {  	v49 =	vld [tilespmem:s20+$0xC520]  }
0x122: {  	v50 =	vld [tilespmem:s20+$0xC530]  }
0x123: {  	v38 =	vld [tilespmem:s20+$0xC540]  }
0x124: {  	v37 =	vld [tilespmem:s20+$0xC550]  }
0x125: {  	v36 =	vld [tilespmem:s20+$0xC560]  }
0x126: {  	v35 =	vld [tilespmem:s20+$0xC570]  }
0x127: {  	v34 =	vld [tilespmem:s20+$0xC900]  }
0x128: {  	v33 =	vld [tilespmem:s20+$0xC910]  }
0x129: {  	v32 =	vld [tilespmem:s20+$0xC920]  }
0x12a: {  	v31 =	vld [tilespmem:s20+$0xC930]  }
0x12b: {  	v30 =	vld [tilespmem:s20+$0xC940]  }
0x12c: {  	v29 =	vld [tilespmem:s20+$0xC950]  }
0x12d: {  	v28 =	vld [tilespmem:s20+$0xC960]  }
0x12e: {  	v27 =	vld [tilespmem:s20+$0xC970]  }
0x12f: {  	v26 =	vld [tilespmem:s20+$0xCD00]  }
0x130: {  	v25 =	vld [tilespmem:s20+$0xCD10]  }
0x131: {  	v24 =	vld [tilespmem:s20+$0xCD20]  }
0x132: {  	v23 =	vld [tilespmem:s20+$0xCD30]  }
0x133: {  	v22 =	vld [tilespmem:s20+$0xCD40]  }
0x134: {  	v21 =	vld [tilespmem:s20+$0xCD50]  }
0x135: {  	v20 =	vld [tilespmem:s20+$0xCD60]  }
0x136: {  	v19 =	vld [tilespmem:s20+$0xCD70]  }
0x137: {  	v18 =	vld [tilespmem:s20+$0xD100]  }
0x138: {  	v17 =	vld [tilespmem:s20+$0xD110]  }
0x139: {  	v16 =	vld [tilespmem:s20+$0xD120]  }
0x13a: {  	v15 =	vld [tilespmem:s20+$0xD130]  }
0x13b: {  	v14 =	vld [tilespmem:s20+$0xD140]  }
0x13c: {  	v13 =	vld [tilespmem:s20+$0xD150]  }
0x13d: {  	v12 =	vld [tilespmem:s20+$0xD160]  }
0x13e: {  	v11 =	vld [tilespmem:s20+$0xD170]  }
0x13f: {  	v10 =	vld [tilespmem:s20+$0xD500]  }
0x140: {  	v9 =	vld [tilespmem:s20+$0xD510]  }
0x141: {  	v8 =	vld [tilespmem:s20+$0xD520]  }
0x142: {  	v7 =	vld [tilespmem:s20+$0xD530]  }
0x143: {  	v6 =	vld [tilespmem:s20+$0xD540]  }
0x144: {  	v5 =	vld [tilespmem:s20+$0xD550]  }
0x145: {  	v4 =	vld [tilespmem:s20+$0xD560]  }
0x146: {  	v3 =	vld [tilespmem:s20+$0xD570]  }
0x147: {  	v51 =	vld [tilespmem:s20+$0x100]  }
0x148: {  	v52 =	vld [tilespmem:s20+$0x110]  }
0x149: {  	v53 =	vld [tilespmem:s20+$0x120]  }
0x14a: {  	v54 =	vld [tilespmem:s20+$0x130]  }
0x14b: {  	v55 =	vld [tilespmem:s20+$0x140]  }
0x14c: {  	v39 =	vadd.f32 v39, v51;
	v51 =	vld [tilespmem:s20+$0x150]  }
0x14d: {  	v40 =	vadd.f32 v40, v52;
	v52 =	vld [tilespmem:s20+$0x160]  }
0x14e: {  	[tilespmem:s20+$0x100] =	vst v39;
	v39 =	vadd.f32 v41, v53;
	v41 =	vld [tilespmem:s20+$0x170]  }
0x14f: {  	[tilespmem:s20+$0x110] =	vst v40;
	v40 =	vadd.f32 v42, v54;
	v42 =	vld [tilespmem:s20+$0x500]  }
0x150: {  	[tilespmem:s20+$0x120] =	vst v39;
	v39 =	vadd.f32 v43, v55;
	v43 =	vld [tilespmem:s20+$0x510]  }
0x151: {  	[tilespmem:s20+$0x130] =	vst v40;
	v40 =	vadd.f32 v44, v51;
	v44 =	vld [tilespmem:s20+$0x520]  }
0x152: {  	[tilespmem:s20+$0x140] =	vst v39;
	v39 =	vadd.f32 v45, v52;
	v45 =	vld [tilespmem:s20+$0x530]  }
0x153: {  	[tilespmem:s20+$0x150] =	vst v40;
	v40 =	vadd.f32 v46, v41;
	v41 =	vld [tilespmem:s20+$0x540]  }
0x154: {  	[tilespmem:s20+$0x160] =	vst v39;
	v39 =	vadd.f32 v47, v42;
	v42 =	vld [tilespmem:s20+$0x550]  }
0x155: {  	[tilespmem:s20+$0x170] =	vst v40;
	v40 =	vadd.f32 v48, v43;
	v43 =	vld [tilespmem:s20+$0x560]  }
0x156: {  	[tilespmem:s20+$0x500] =	vst v39;
	v39 =	vadd.f32 v49, v44;
	v44 =	vld [tilespmem:s20+$0x570]  }
0x157: {  	[tilespmem:s20+$0x510] =	vst v40;
	v40 =	vadd.f32 v50, v45;
	v45 =	vld [tilespmem:s20+$0x900]  }
0x158: {  	[tilespmem:s20+$0x520] =	vst v39;
	v38 =	vadd.f32 v38, v41;
	v39 =	vld [tilespmem:s20+$0x910]  }
0x159: {  	[tilespmem:s20+$0x530] =	vst v40;
	v37 =	vadd.f32 v37, v42;
	v40 =	vld [tilespmem:s20+$0x920]  }
0x15a: {  	[tilespmem:s20+$0x540] =	vst v38;
	v36 =	vadd.f32 v36, v43;
	v38 =	vld [tilespmem:s20+$0x930]  }
0x15b: {  	[tilespmem:s20+$0x550] =	vst v37;
	v35 =	vadd.f32 v35, v44;
	v37 =	vld [tilespmem:s20+$0x940]  }
0x15c: {  	[tilespmem:s20+$0x560] =	vst v36;
	v34 =	vadd.f32 v34, v45;
	v36 =	vld [tilespmem:s20+$0x950]  }
0x15d: {  	[tilespmem:s20+$0x570] =	vst v35;
	v33 =	vadd.f32 v33, v39;
	v35 =	vld [tilespmem:s20+$0x960]  }
0x15e: {  	[tilespmem:s20+$0x900] =	vst v34;
	v32 =	vadd.f32 v32, v40;
	v34 =	vld [tilespmem:s20+$0x970]  }
0x15f: {  	[tilespmem:s20+$0x910] =	vst v33;
	v31 =	vadd.f32 v31, v38;
	v33 =	vld [tilespmem:s20+$0xD00]  }
0x160: {  	[tilespmem:s20+$0x920] =	vst v32;
	v30 =	vadd.f32 v30, v37;
	v32 =	vld [tilespmem:s20+$0xD10]  }
0x161: {  	[tilespmem:s20+$0x930] =	vst v31;
	v29 =	vadd.f32 v29, v36;
	v31 =	vld [tilespmem:s20+$0xD20]  }
0x162: {  	[tilespmem:s20+$0x940] =	vst v30;
	v28 =	vadd.f32 v28, v35;
	v30 =	vld [tilespmem:s20+$0xD30]  }
0x163: {  	[tilespmem:s20+$0x950] =	vst v29;
	v27 =	vadd.f32 v27, v34;
	v29 =	vld [tilespmem:s20+$0xD40]  }
0x164: {  	[tilespmem:s20+$0x960] =	vst v28;
	v26 =	vadd.f32 v26, v33;
	v28 =	vld [tilespmem:s20+$0xD50]  }
0x165: {  	[tilespmem:s20+$0x970] =	vst v27;
	v25 =	vadd.f32 v25, v32;
	v27 =	vld [tilespmem:s20+$0xD60]  }
0x166: {  	[tilespmem:s20+$0xD00] =	vst v26;
	v24 =	vadd.f32 v24, v31;
	v26 =	vld [tilespmem:s20+$0xD70]  }
0x167: {  	[tilespmem:s20+$0xD10] =	vst v25;
	v23 =	vadd.f32 v23, v30;
	v25 =	vld [tilespmem:s20+$0x1100]  }
0x168: {  	[tilespmem:s20+$0xD20] =	vst v24;
	v22 =	vadd.f32 v22, v29;
	v24 =	vld [tilespmem:s20+$0x1110]  }
0x169: {  	[tilespmem:s20+$0xD30] =	vst v23;
	v21 =	vadd.f32 v21, v28;
	v23 =	vld [tilespmem:s20+$0x1120]  }
0x16a: {  	[tilespmem:s20+$0xD40] =	vst v22;
	v20 =	vadd.f32 v20, v27;
	v22 =	vld [tilespmem:s20+$0x1130]  }
0x16b: {  	[tilespmem:s20+$0xD50] =	vst v21;
	v19 =	vadd.f32 v19, v26;
	v21 =	vld [tilespmem:s20+$0x1140]  }
0x16c: {  	[tilespmem:s20+$0xD60] =	vst v20;
	v18 =	vadd.f32 v18, v25;
	v20 =	vld [tilespmem:s20+$0x1150]  }
0x16d: {  	[tilespmem:s20+$0xD70] =	vst v19;
	v17 =	vadd.f32 v17, v24;
	v19 =	vld [tilespmem:s20+$0x1160]  }
.Ltmp0:
0x16e: {  	[tilespmem:s20+$0x1100] =	vst v18;
	v18 =	vadd.f32 v16, v23;
	v16 =	vld [tilespmem:s20+$0x1170];
	(pc) =	sbr.rel @p0 .LBB2_2-.Ltmp0, $4  }
0x16f: {  	[tilespmem:s20+$0x1110] =	vst v17;
	v17 =	vadd.f32 v15, v22;
	v15 =	vld [tilespmem:s20+$0x1500]  }
0x170: {  	[tilespmem:s20+$0x1120] =	vst v18;
	v21 =	vadd.f32 v14, v21;
	v14 =	vld [tilespmem:s20+$0x1510]  }
0x171: {  	[tilespmem:s20+$0x1130] =	vst v17;
	v18 =	vadd.f32 v13, v20;
	v13 =	vld [tilespmem:s20+$0x1520]  }
0x172: {  	s21 =	sadd.s32 $0x1, s21;
	[tilespmem:s20+$0x1140] =	vst v21;
	v17 =	vadd.f32 v12, v19;
	v12 =	vld [tilespmem:s20+$0x1530]  }
0x173: {  	[tilespmem:s20+$0x1150] =	vst v18;
	v60 =	vld [tilespmem:s20+$0x1540];
	v11 =	vadd.f32 v11, v16  }
0x174: {  	v61 =	vld [tilespmem:s20+$0x1550];
	[tilespmem:s20+$0x1160] =	vst v17;
	v10 =	vadd.f32 v10, v15  }
0x175: {  	v62 =	vld [tilespmem:s20+$0x1560];
	[tilespmem:s20+$0x1170] =	vst v11;
	v9 =	vadd.f32 v9, v14  }
0x176: {  	v63 =	vld [tilespmem:s20+$0x1570];
	[tilespmem:s20+$0x1500] =	vst v10;
	v8 =	vadd.f32 v8, v13  }
0x177: {  	[tilespmem:s20+$0x1510] =	vst v9;
	v7 =	vadd.f32 v7, v12  }
0x178: {  	[tilespmem:s20+$0x1520] =	vst v8;
	v6 =	vadd.f32 v6, v60  }
0x179: {  	v5 =	vadd.f32 v5, v61;
	[tilespmem:s20+$0x1530] =	vst v7  }
0x17a: {  	v4 =	vadd.f32 v4, v62;
	[tilespmem:s20+$0x1540] =	vst v6  }
0x17b: {  	s19 =	sadd.s32 $0x1, s19;
	v3 =	vadd.f32 v3, v63;
	[tilespmem:s20+$0x1550] =	vst v5  }
0x17c: {  	p0 =	sne.s32 s19, s9;
	[tilespmem:s20+$0x1560] =	vst v4  }
.Ltmp1:
0x17d: {  	[tilespmem:s20+$0x1570] =	vst v3;
	(pc) =	sbr.rel @p0 .LBB2_1-.Ltmp1, $4  }
0x17e: {  	[hbm4b:s8+s2] =	stream.linear.scatter [tilespmem:s12], [sflag:$0x2], $0xC000, $0x38;
	[tilespmem:$0x18100] =	vst v63  }
0x17f: {  	_ =	swait.ge [sflag:s10], $0xC000  }
0x180: {  	[sflag:s10] =	ssyncset.done $0x0  }
0x181: {  	[sflag:s10] =	ssyncadd.s32 $0xFFFF4000  }
0x182: {  	_ =	sfence.sel $0x180000  }
0x183: {  	[bflag:$0x0] =	sbarrier.arrive $0xFFFF  }
0x184: {  	_ =	strace $0x9000004A  }
0x185: {  	s0 =	stileid.u32;
	[bflag:$0x2] =	sbarrier.arrive $0xFFFF  }
0x186: {  	p0 =	sne.s32 s0, $0x0;
	s0 =	rddreg [dreg:$0x2]  }
0x187: {  	s0 =	sadd.s32 @!p0 $0x100000, s0  }
0x188: {  	[sflag:s0] =	ssyncadd.tile.s32 @!p0 $0x1;
	_ =	shalt  }
.Lfunc_end2:
_tile_overlayer_lowered:
.L_overlay_start_2:
0x189: {  	(tag) =	ssettag $0x2  }
0x18a: {  	s0 =	rddreg [dreg:$0x0];
	s2 =	stileid.u32  }
0x18b: {  	s1 =	rddreg [dreg:$0x1];
	p0 =	sne.s32 s2, $0x0  }
0x18c: {  	s3 =	rddreg [dreg:$0x2];
	[bflag:$0x3] =	sbarrier.arrive $0xFFFF;
	s2 =	simm.s32 @!p0 $0x1C02  }
0x18d: {  	[timem:s3], [sflag:s2] =	dma.local @!p0 [hbm:s0], s1  }
0x18e: {  	s0 =	simm.s32 @!p0 $0x2  }
0x18f: {  	_ =	swait.ge @!p0 [sflag:s0], s1  }
0x190: {  	s1 =	ssub.s32 @!p0 $0x0, s1;
	[sflag:s0] =	ssyncset.done @!p0 $0x0  }
0x191: {  	[sflag:s0] =	ssyncadd.s32 @!p0 s1  }
0x192: {  	[bflag:$0x3] =	sbarrier.arrive $0xFFFF  }
0x193: {  	_ =	shalt  }

</sc_bundles>
